<compile_context>
chip_gen: v7x
topology: tpu7x:2x2x1
jax: 0.10.2.dev20260603
libtpu: 0.0.44.dev20260713+nightly
codegen_flags: <defaults>
</compile_context>

<pallas_src>
import functools

import jax
import jax.numpy as jnp
from jax import lax
from jax.experimental import pallas as pl
from jax.experimental.pallas import tpu as pltpu
from jax.experimental.pallas import tpu_sc as plsc

_NUM_BINS = 16
_BOUND = 5.0
_N = 16777216
_NW = 32
_PER_W = _N // _NW
_CHUNK = 16384
_NCHUNK = _PER_W // _CHUNK
_NCHUNK2 = _NCHUNK // 2
_NVEC = _CHUNK // 16
_LUT_SIZE = 2048
_HALF_DOM = 5.5
_SCALE = (_LUT_SIZE - 1) / (2.0 * _HALF_DOM)
_TROW = 32


def _build_tables(unnorm_widths, unnorm_heights, unnorm_derivatives):
    widths = jax.nn.softmax(unnorm_widths, axis=-1)
    widths = 0.001 + (1.0 - 0.001 * _NUM_BINS) * widths
    widths = widths * 2.0 * _BOUND
    heights = jax.nn.softmax(unnorm_heights, axis=-1)
    heights = 0.001 + (1.0 - 0.001 * _NUM_BINS) * heights
    heights = heights * 2.0 * _BOUND
    derivs = jax.nn.softplus(unnorm_derivatives) + 0.001
    neg_b = jnp.array([-_BOUND], dtype=jnp.float32)
    knot_x = jnp.concatenate([neg_b, -_BOUND + jnp.cumsum(widths)])
    knot_y = jnp.concatenate([neg_b, -_BOUND + jnp.cumsum(heights)])

    w = widths
    h = heights
    d0 = derivs[:-1]
    d1 = derivs[1:]
    s = h / w
    g = d0 + d1 - 2.0 * s
    alpha = h * (s - d0) / (w * w * s)
    beta = h * d0 / (w * s)
    c1 = g / (w * s)
    c2 = -g / (w * w * s)

    zeros1 = jnp.zeros((1,), jnp.float32)
    inf1 = jnp.array([3e38], jnp.float32)
    xk_t = jnp.concatenate([neg_b, knot_x[:-1], knot_x[-1:]])
    yk_t = jnp.concatenate([neg_b, knot_y[:-1], knot_y[-1:]])
    al_t = jnp.concatenate([zeros1, alpha, zeros1])
    bt_t = jnp.concatenate([derivs[:1], beta, derivs[-1:]])
    c1_t = jnp.concatenate([zeros1, c1, zeros1])
    c2_t = jnp.concatenate([zeros1, c2, zeros1])

    bnd = jnp.array([_BOUND], dtype=jnp.float32)
    tau = jnp.concatenate([neg_b, knot_x[1:_NUM_BINS], bnd])
    tn_t = jnp.concatenate([tau, inf1])

    edges = (jnp.arange(_LUT_SIZE, dtype=jnp.float32) - 0.5) \
        / jnp.float32(_SCALE) - jnp.float32(_HALF_DOM)
    lut = jnp.sum(tau[None, :] < edges[:, None], axis=1).astype(jnp.int32)

    tn_bits = jax.lax.bitcast_convert_type(tn_t[lut], jnp.int32)
    lut_packed = (tn_bits & jnp.int32(-32)) | lut

    k1_bits = jax.lax.bitcast_convert_type(c1_t.astype(jnp.bfloat16), jnp.int16)
    k2_bits = jax.lax.bitcast_convert_type(c2_t.astype(jnp.bfloat16), jnp.int16)
    kk_t = (k1_bits.astype(jnp.int32) << 16) | (
        k2_bits.astype(jnp.int32) & jnp.int32(0xFFFF))

    def pad(t):
        return jnp.pad(t, (0, _TROW - t.shape[0]))

    return (lut_packed, pad(xk_t), pad(yk_t), pad(al_t), pad(bt_t),
            pad(kk_t))


def _spline_body(x_hbm, lut_hbm, xk_hbm, yk_hbm, al_hbm, bt_hbm,
                 kk_hbm, out_hbm, lut_v, xk_v, yk_v, al_v,
                 bt_v, kk_v, xb0, xb1, yb0, yb1, si0, si1, so0, so1):
    wid = lax.axis_index("s") * 2 + lax.axis_index("c")
    base = wid * _PER_W
    pltpu.sync_copy(lut_hbm, lut_v)
    pltpu.sync_copy(xk_hbm, xk_v)
    pltpu.sync_copy(yk_hbm, yk_v)
    pltpu.sync_copy(al_hbm, al_v)
    pltpu.sync_copy(bt_hbm, bt_v)
    pltpu.sync_copy(kk_hbm, kk_v)

    xbufs = (xb0, xb1)
    ybufs = (yb0, yb1)
    sins = (si0, si1)
    souts = (so0, so1)

    half = jnp.float32(_HALF_DOM)
    scale = jnp.float32(_SCALE)
    one = jnp.float32(1.0)
    magic = jnp.float32(2.0 ** 23 + _HALF_DOM * _SCALE)

    def xsl(ci):
        return x_hbm.at[pl.ds(base + ci * _CHUNK, _CHUNK)]

    def osl(ci):
        return out_hbm.at[pl.ds(base + ci * _CHUNK, _CHUNK)]

    def compute(xbuf, ybuf):
        @plsc.parallel_loop(0, _NVEC, unroll=12)
        def _(i):
            xv = xbuf[pl.ds(i * 16, 16)]
            xj = jnp.minimum(jnp.maximum(xv, -half), half)
            j = plsc.bitcast(xj * scale + magic, jnp.int32) & jnp.int32(
                _LUT_SIZE - 1)
            e = plsc.load_gather(lut_v, [j])
            c = e & jnp.int32(31)
            tn = plsc.bitcast(e, jnp.float32)
            be = jnp.where(tn < xv, c + 1, c)
            xk = plsc.load_gather(xk_v, [be])
            yk = plsc.load_gather(yk_v, [be])
            al = plsc.load_gather(al_v, [be])
            bt = plsc.load_gather(bt_v, [be])
            kk = plsc.load_gather(kk_v, [be])
            k1 = plsc.bitcast(kk & jnp.int32(-65536), jnp.float32)
            k2 = plsc.bitcast(kk << 16, jnp.float32)
            u = xv - xk
            num = (al * u + bt) * u
            den = (k2 * u + k1) * u + one
            ybuf[pl.ds(i * 16, 16)] = yk + num / den

    pltpu.async_copy(xsl(0), xb0, si0)
    pltpu.async_copy(xsl(1), xb1, si1)

    def chunk2(c2, carry):
        for b in range(2):
            ci = c2 * 2 + b
            pltpu.make_async_copy(xsl(ci), xbufs[b], sins[b]).wait()

            @pl.when(c2 >= 1)
            def _():
                pltpu.make_async_copy(ybufs[b], osl(ci - 2), souts[b]).wait()

            compute(xbufs[b], ybufs[b])
            pltpu.async_copy(ybufs[b], osl(ci), souts[b])

            @pl.when(c2 + 1 < _NCHUNK2)
            def _():
                pltpu.async_copy(xsl(ci + 2), xbufs[b], sins[b])
        return carry

    lax.fori_loop(0, _NCHUNK2, chunk2, 0)
    for b in range(2):
        ci = (_NCHUNK2 - 1) * 2 + b
        pltpu.make_async_copy(ybufs[b], osl(ci), souts[b]).wait()


_mesh = plsc.VectorSubcoreMesh(
    core_axis_name="c", subcore_axis_name="s", num_cores=2, num_subcores=16)

_spline_call = functools.partial(
    pl.kernel,
    out_type=jax.ShapeDtypeStruct((_N,), jnp.float32),
    mesh=_mesh,
    scratch_types=[
        pltpu.VMEM((_LUT_SIZE,), jnp.int32),
        pltpu.VMEM((_TROW,), jnp.float32),
        pltpu.VMEM((_TROW,), jnp.float32),
        pltpu.VMEM((_TROW,), jnp.float32),
        pltpu.VMEM((_TROW,), jnp.float32),
        pltpu.VMEM((_TROW,), jnp.int32),
        pltpu.VMEM((_CHUNK,), jnp.float32),
        pltpu.VMEM((_CHUNK,), jnp.float32),
        pltpu.VMEM((_CHUNK,), jnp.float32),
        pltpu.VMEM((_CHUNK,), jnp.float32),
        pltpu.SemaphoreType.DMA,
        pltpu.SemaphoreType.DMA,
        pltpu.SemaphoreType.DMA,
        pltpu.SemaphoreType.DMA,
    ],
    compiler_params=pltpu.CompilerParams(needs_layout_passes=False),
)(_spline_body)


def kernel(x, unnorm_widths, unnorm_heights, unnorm_derivatives):
    tabs = _build_tables(unnorm_widths, unnorm_heights, unnorm_derivatives)
    return _spline_call(x, *tabs)

# --- scband reference (transcript-rebuilt; emitter-appended) ---
"""Pipeline reference for scband-rational-quadratic-spline-52810917871888 (READ-ONLY COPY).

The authoritative reference and input builder live on the scoring server;
editing this copy changes nothing except your own understanding.
"""

import jax, jax.numpy as jnp
import numpy as np

NUM_BINS = 16
BOUND = 5.0
MIN_DERIVATIVE = 0.001
MIN_BIN_WIDTH = 0.001
MIN_BIN_HEIGHT = 0.001


def setup_inputs(seed: int = 0) -> dict:
    key = jax.random.key(seed)
    k1, k2, k3, k4 = jax.random.split(key, 4)
    x = jax.random.normal(k1, (16777216,), dtype=jnp.float32)
    unnorm_widths = jax.random.normal(k2, (NUM_BINS,), dtype=jnp.float32) * 0.1
    unnorm_heights = jax.random.normal(k3, (NUM_BINS,), dtype=jnp.float32) * 0.1
    unnorm_derivatives = jax.random.normal(k4, (NUM_BINS + 1,), dtype=jnp.float32) * 0.1
    return {
        "x": x,
        "unnorm_widths": unnorm_widths,
        "unnorm_heights": unnorm_heights,
        "unnorm_derivatives": unnorm_derivatives,
    }


def _spline_forward(x, unnorm_widths, unnorm_heights, unnorm_derivatives):
    # Constrained spline params
    widths = jax.nn.softmax(unnorm_widths, axis=-1)
    widths = MIN_BIN_WIDTH + (1.0 - MIN_BIN_WIDTH * NUM_BINS) * widths
    widths = widths * 2.0 * BOUND
    heights = jax.nn.softmax(unnorm_heights, axis=-1)
    heights = MIN_BIN_HEIGHT + (1.0 - MIN_BIN_HEIGHT * NUM_BINS) * heights
    heights = heights * 2.0 * BOUND
    derivatives = jax.nn.softplus(unnorm_derivatives) + MIN_DERIVATIVE
    knot_x = jnp.concatenate([jnp.array([-BOUND], dtype=widths.dtype), -BOUND + jnp.cumsum(widths, axis=-1)])
    knot_y = jnp.concatenate([jnp.array([-BOUND], dtype=heights.dtype), -BOUND + jnp.cumsum(heights, axis=-1)])

    x_flat = x.reshape(-1)
    left_mask = x_flat < -BOUND
    right_mask = x_flat > BOUND

    # Linear tails
    y_left = knot_y[0] + derivatives[0] * (x_flat - knot_x[0])
    y_right = knot_y[-1] + derivatives[-1] * (x_flat - knot_x[-1])

    # Interior rational-quadratic evaluation on clamped x (safe for all lanes)
    x_c = jnp.clip(x_flat, -BOUND, BOUND)
    bin_idx = jnp.clip(jnp.searchsorted(knot_x[1:], x_c), 0, NUM_BINS - 1)
    w_k = widths[bin_idx]
    h_k = heights[bin_idx]
    d_k = derivatives[bin_idx]
    d_k1 = derivatives[bin_idx + 1]
    x_k = knot_x[bin_idx]
    y_k = knot_y[bin_idx]
    xi = (x_c - x_k) / w_k
    s_k = h_k / w_k
    xi_1mxi = xi * (1.0 - xi)
    numerator = s_k * jnp.square(xi) + d_k * xi_1mxi
    denominator = s_k + (d_k + d_k1 - 2.0 * s_k) * xi_1mxi
    y_interior = y_k + h_k * numerator / denominator

    y_flat = jnp.where(left_mask, y_left, jnp.where(right_mask, y_right, y_interior))
    return y_flat.reshape(x.shape)


def reference(x, unnorm_widths, unnorm_heights, unnorm_derivatives):
    # Faithful to RationalQuadraticSpline.forward(x, return_log_deriv=False): returns y
    return _spline_forward(x, unnorm_widths, unnorm_heights, unnorm_derivatives)

if __name__ == "__main__":
    import jax
    _d = setup_inputs()
    print(jax.jit(kernel)(*tuple(_d.values())))

</pallas_src>

<mosaic_0001>
#map = affine_map<(d0, d1) -> (0)>
module attributes {stable_mosaic.version = 14 : i64} {
  func.func @_spline_body(%arg0: i32, %arg1: i32, %arg2: memref<16777216xf32, #tpu.memory_space<hbm>>, %arg3: memref<2048xi32, #tpu.memory_space<hbm>>, %arg4: memref<32xf32, #tpu.memory_space<hbm>>, %arg5: memref<32xf32, #tpu.memory_space<hbm>>, %arg6: memref<32xf32, #tpu.memory_space<hbm>>, %arg7: memref<32xf32, #tpu.memory_space<hbm>>, %arg8: memref<32xi32, #tpu.memory_space<hbm>>, %arg9: memref<16777216xf32, #tpu.memory_space<hbm>>, %arg10: memref<2048xi32, #tpu.memory_space<vmem>>, %arg11: memref<32xf32, #tpu.memory_space<vmem>>, %arg12: memref<32xf32, #tpu.memory_space<vmem>>, %arg13: memref<32xf32, #tpu.memory_space<vmem>>, %arg14: memref<32xf32, #tpu.memory_space<vmem>>, %arg15: memref<32xi32, #tpu.memory_space<vmem>>, %arg16: memref<16384xf32, #tpu.memory_space<vmem>>, %arg17: memref<16384xf32, #tpu.memory_space<vmem>>, %arg18: memref<16384xf32, #tpu.memory_space<vmem>>, %arg19: memref<16384xf32, #tpu.memory_space<vmem>>, %arg20: memref<!tpu.dma_semaphore, #tpu.memory_space<semaphore_mem>>, %arg21: memref<!tpu.dma_semaphore, #tpu.memory_space<semaphore_mem>>, %arg22: memref<!tpu.dma_semaphore, #tpu.memory_space<semaphore_mem>>, %arg23: memref<!tpu.dma_semaphore, #tpu.memory_space<semaphore_mem>>) attributes {dimension_semantics = [#tpu.dimension_semantics<core_parallel>, #tpu.dimension_semantics<subcore_parallel>], iteration_bounds = array<i64: 2, 16>, scalar_prefetch = 0 : i64, scratch_operands = 14 : i64, tpu.core_type = #tpu.core_type<sc_vector_subcore>, window_params = [{transform_indices = #map}, {transform_indices = #map}, {transform_indices = #map}, {transform_indices = #map}, {transform_indices = #map}, {transform_indices = #map}, {transform_indices = #map}, {transform_indices = #map}]} {
    %mul3A = arith.constant 2 : i32
    %mul3A_0 = arith.muli %arg1, %mul3A : i32
    %add3A = arith.addi %mul3A_0, %arg0 : i32
    %mul3A_1 = arith.constant 524288 : i32
    %mul3A_2 = arith.muli %add3A, %mul3A_1 : i32
    "tpu.region"() ({
      %run_scoped3A = tpu.sem_alloc : memref<!tpu.dma_semaphore, #tpu.memory_space<semaphore_mem>>
      tpu.enqueue_dma source(%arg3 : memref<2048xi32, #tpu.memory_space<hbm>>) target(%arg10 : memref<2048xi32, #tpu.memory_space<vmem>>) target_semaphore(%run_scoped3A : memref<!tpu.dma_semaphore, #tpu.memory_space<semaphore_mem>>)
      tpu.wait_dma2 semaphore(%run_scoped3A : memref<!tpu.dma_semaphore, #tpu.memory_space<semaphore_mem>>) src(%arg3 : memref<2048xi32, #tpu.memory_space<hbm>>) dst(%arg10 : memref<2048xi32, #tpu.memory_space<vmem>>)
      tpu.yield
    }) : () -> ()
    "tpu.region"() ({
      %run_scoped3A = tpu.sem_alloc : memref<!tpu.dma_semaphore, #tpu.memory_space<semaphore_mem>>
      tpu.enqueue_dma source(%arg4 : memref<32xf32, #tpu.memory_space<hbm>>) target(%arg11 : memref<32xf32, #tpu.memory_space<vmem>>) target_semaphore(%run_scoped3A : memref<!tpu.dma_semaphore, #tpu.memory_space<semaphore_mem>>)
      tpu.wait_dma2 semaphore(%run_scoped3A : memref<!tpu.dma_semaphore, #tpu.memory_space<semaphore_mem>>) src(%arg4 : memref<32xf32, #tpu.memory_space<hbm>>) dst(%arg11 : memref<32xf32, #tpu.memory_space<vmem>>)
      tpu.yield
    }) : () -> ()
    "tpu.region"() ({
      %run_scoped3A = tpu.sem_alloc : memref<!tpu.dma_semaphore, #tpu.memory_space<semaphore_mem>>
      tpu.enqueue_dma source(%arg5 : memref<32xf32, #tpu.memory_space<hbm>>) target(%arg12 : memref<32xf32, #tpu.memory_space<vmem>>) target_semaphore(%run_scoped3A : memref<!tpu.dma_semaphore, #tpu.memory_space<semaphore_mem>>)
      tpu.wait_dma2 semaphore(%run_scoped3A : memref<!tpu.dma_semaphore, #tpu.memory_space<semaphore_mem>>) src(%arg5 : memref<32xf32, #tpu.memory_space<hbm>>) dst(%arg12 : memref<32xf32, #tpu.memory_space<vmem>>)
      tpu.yield
    }) : () -> ()
    "tpu.region"() ({
      %run_scoped3A = tpu.sem_alloc : memref<!tpu.dma_semaphore, #tpu.memory_space<semaphore_mem>>
      tpu.enqueue_dma source(%arg6 : memref<32xf32, #tpu.memory_space<hbm>>) target(%arg13 : memref<32xf32, #tpu.memory_space<vmem>>) target_semaphore(%run_scoped3A : memref<!tpu.dma_semaphore, #tpu.memory_space<semaphore_mem>>)
      tpu.wait_dma2 semaphore(%run_scoped3A : memref<!tpu.dma_semaphore, #tpu.memory_space<semaphore_mem>>) src(%arg6 : memref<32xf32, #tpu.memory_space<hbm>>) dst(%arg13 : memref<32xf32, #tpu.memory_space<vmem>>)
      tpu.yield
    }) : () -> ()
    "tpu.region"() ({
      %run_scoped3A = tpu.sem_alloc : memref<!tpu.dma_semaphore, #tpu.memory_space<semaphore_mem>>
      tpu.enqueue_dma source(%arg7 : memref<32xf32, #tpu.memory_space<hbm>>) target(%arg14 : memref<32xf32, #tpu.memory_space<vmem>>) target_semaphore(%run_scoped3A : memref<!tpu.dma_semaphore, #tpu.memory_space<semaphore_mem>>)
      tpu.wait_dma2 semaphore(%run_scoped3A : memref<!tpu.dma_semaphore, #tpu.memory_space<semaphore_mem>>) src(%arg7 : memref<32xf32, #tpu.memory_space<hbm>>) dst(%arg14 : memref<32xf32, #tpu.memory_space<vmem>>)
      tpu.yield
    }) : () -> ()
    "tpu.region"() ({
      %run_scoped3A = tpu.sem_alloc : memref<!tpu.dma_semaphore, #tpu.memory_space<semaphore_mem>>
      tpu.enqueue_dma source(%arg8 : memref<32xi32, #tpu.memory_space<hbm>>) target(%arg15 : memref<32xi32, #tpu.memory_space<vmem>>) target_semaphore(%run_scoped3A : memref<!tpu.dma_semaphore, #tpu.memory_space<semaphore_mem>>)
      tpu.wait_dma2 semaphore(%run_scoped3A : memref<!tpu.dma_semaphore, #tpu.memory_space<semaphore_mem>>) src(%arg8 : memref<32xi32, #tpu.memory_space<hbm>>) dst(%arg15 : memref<32xi32, #tpu.memory_space<vmem>>)
      tpu.yield
    }) : () -> ()
    %add3A_3 = arith.constant 0 : i32
    %add3A_4 = arith.addi %mul3A_2, %add3A_3 : i32
    %dma_start3A = tpu.memref_slice %arg2[%add3A_4] : memref<16777216xf32, #tpu.memory_space<hbm>> -> memref<16384xf32, #tpu.memory_space<hbm>>
    %dma_start3A_5 = tpu.memref_slice %arg2[%add3A_4] : memref<16777216xf32, #tpu.memory_space<hbm>> -> memref<16384xf32, #tpu.memory_space<hbm>>
    tpu.enqueue_dma source(%dma_start3A_5 : memref<16384xf32, #tpu.memory_space<hbm>>) target(%arg16 : memref<16384xf32, #tpu.memory_space<vmem>>) target_semaphore(%arg20 : memref<!tpu.dma_semaphore, #tpu.memory_space<semaphore_mem>>)
    %add3A_6 = arith.constant 16384 : i32
    %add3A_7 = arith.addi %mul3A_2, %add3A_6 : i32
    %dma_start3A_8 = tpu.memref_slice %arg2[%add3A_7] : memref<16777216xf32, #tpu.memory_space<hbm>> -> memref<16384xf32, #tpu.memory_space<hbm>>
    %dma_start3A_9 = tpu.memref_slice %arg2[%add3A_7] : memref<16777216xf32, #tpu.memory_space<hbm>> -> memref<16384xf32, #tpu.memory_space<hbm>>
    tpu.enqueue_dma source(%dma_start3A_9 : memref<16384xf32, #tpu.memory_space<hbm>>) target(%arg17 : memref<16384xf32, #tpu.memory_space<vmem>>) target_semaphore(%arg21 : memref<!tpu.dma_semaphore, #tpu.memory_space<semaphore_mem>>)
    %scan3A = arith.constant 0 : i32
    %scan3A_10 = arith.constant 5.500000e+00 : f32
    %scan3A_11 = arith.constant 186.090912 : f32
    %scan3A_12 = arith.constant 0x4B000400 : f32
    %scan3A_13 = arith.constant 1.000000e+00 : f32
    %scan3A_14 = arith.constant 0 : i32
    %scan3A_15 = arith.constant 16 : i32
    %scan3A_16 = arith.addi %scan3A_14, %scan3A_15 : i32
    %scan3A_17 = arith.constant 1 : i32
    scf.for %scan3A_26 = %scan3A_14 to %scan3A_16 step %scan3A_17  : i32 {
      %mul3A_27 = arith.constant 2 : i32
      %mul3A_28 = arith.muli %scan3A_26, %mul3A_27 : i32
      %add3A_29 = arith.constant 0 : i32
      %add3A_30 = arith.addi %mul3A_28, %add3A_29 : i32
      %mul3A_31 = arith.constant 16384 : i32
      %mul3A_32 = arith.muli %add3A_30, %mul3A_31 : i32
      %add3A_33 = arith.addi %mul3A_2, %mul3A_32 : i32
      %dma_wait3A_34 = tpu.memref_slice %arg2[%add3A_33] : memref<16777216xf32, #tpu.memory_space<hbm>> -> memref<16384xf32, #tpu.memory_space<hbm>>
      %dma_wait3A_35 = tpu.memref_slice %arg2[%add3A_33] : memref<16777216xf32, #tpu.memory_space<hbm>> -> memref<16384xf32, #tpu.memory_space<hbm>>
      tpu.wait_dma2 semaphore(%arg20 : memref<!tpu.dma_semaphore, #tpu.memory_space<semaphore_mem>>) src(%dma_wait3A_35 : memref<16384xf32, #tpu.memory_space<hbm>>) dst(%arg16 : memref<16384xf32, #tpu.memory_space<vmem>>)
      %ge3A = arith.constant 1 : i32
      %ge3A_36 = arith.cmpi sge, %scan3A_26, %ge3A : i32
      %convert_element_type3A = arith.extui %ge3A_36 : i1 to i32
      %cond3A = arith.constant 0 : i32
      %cond3A_37 = arith.cmpi ne, %convert_element_type3A, %cond3A : i32
      scf.if %cond3A_37 {
        %sub3A = arith.constant 2 : i32
        %sub3A_80 = arith.subi %add3A_30, %sub3A : i32
        %mul3A_81 = arith.constant 16384 : i32
        %mul3A_82 = arith.muli %sub3A_80, %mul3A_81 : i32
        %add3A_83 = arith.addi %mul3A_2, %mul3A_82 : i32
        %dma_wait3A_84 = tpu.memref_slice %arg9[%add3A_83] : memref<16777216xf32, #tpu.memory_space<hbm>> -> memref<16384xf32, #tpu.memory_space<hbm>>
        %dma_wait3A_85 = tpu.memref_slice %arg9[%add3A_83] : memref<16777216xf32, #tpu.memory_space<hbm>> -> memref<16384xf32, #tpu.memory_space<hbm>>
        tpu.wait_dma2 semaphore(%arg22 : memref<!tpu.dma_semaphore, #tpu.memory_space<semaphore_mem>>) src(%arg18 : memref<16384xf32, #tpu.memory_space<vmem>>) dst(%dma_wait3A_85 : memref<16384xf32, #tpu.memory_space<hbm>>)
      } else {
      }
      %parallel_loop3A = arith.constant 0 : i32
      %parallel_loop3A_38 = arith.constant 1024 : i32
      %parallel_loop3A_39 = arith.constant 1 : i32
      scf.for %parallel_loop3A_80 = %parallel_loop3A to %parallel_loop3A_38 step %parallel_loop3A_39  : i32 {
        %parallel_loop3A_81 = arith.constant 16 : i32
        %parallel_loop3A_82 = arith.muli %parallel_loop3A_80, %parallel_loop3A_81 : i32
        %parallel_loop3A_83 = arith.index_cast %parallel_loop3A_82 : i32 to index
        %parallel_loop3A_84 = tpu.vector_load %arg16[%parallel_loop3A_83] {strides = array<i32>} : memref<16384xf32, #tpu.memory_space<vmem>>, vector<16xf32>,
        %parallel_loop3A_85 = arith.constant 0.000000e+00 : f32
        %parallel_loop3A_86 = arith.subf %parallel_loop3A_85, %scan3A_10 : f32
        %parallel_loop3A_87 = vector.broadcast %parallel_loop3A_86 : f32 to vector<16xf32>
        %parallel_loop3A_88 = arith.maximumf %parallel_loop3A_84, %parallel_loop3A_87 : vector<16xf32>
        %parallel_loop3A_89 = vector.broadcast %scan3A_10 : f32 to vector<16xf32>
        %parallel_loop3A_90 = arith.minimumf %parallel_loop3A_88, %parallel_loop3A_89 : vector<16xf32>
        %parallel_loop3A_91 = vector.broadcast %scan3A_11 : f32 to vector<16xf32>
        %parallel_loop3A_92 = arith.mulf %parallel_loop3A_90, %parallel_loop3A_91 : vector<16xf32>
        %parallel_loop3A_93 = vector.broadcast %scan3A_12 : f32 to vector<16xf32>
        %parallel_loop3A_94 = arith.addf %parallel_loop3A_92, %parallel_loop3A_93 : vector<16xf32>
        %parallel_loop3A_95 = vector.bitcast %parallel_loop3A_94 : vector<16xf32> to vector<16xi32>
        %parallel_loop3A_96 = arith.constant 2047 : i32
        %parallel_loop3A_97 = vector.broadcast %parallel_loop3A_96 : i32 to vector<16xi32>
        %parallel_loop3A_98 = arith.andi %parallel_loop3A_95, %parallel_loop3A_97 : vector<16xi32>
        %parallel_loop3A_99 = tpu.vector_load_idx %arg10[%parallel_loop3A_98] : memref<2048xi32, #tpu.memory_space<vmem>>[vector<16xi32>], vector<16xi32>,
        %parallel_loop3A_100 = arith.constant 31 : i32
        %parallel_loop3A_101 = vector.broadcast %parallel_loop3A_100 : i32 to vector<16xi32>
        %parallel_loop3A_102 = arith.andi %parallel_loop3A_99, %parallel_loop3A_101 : vector<16xi32>
        %parallel_loop3A_103 = vector.bitcast %parallel_loop3A_99 : vector<16xi32> to vector<16xf32>
        %parallel_loop3A_104 = arith.cmpf olt, %parallel_loop3A_103, %parallel_loop3A_84 : vector<16xf32>
        %parallel_loop3A_105 = arith.constant 1 : i32
        %parallel_loop3A_106 = vector.broadcast %parallel_loop3A_105 : i32 to vector<16xi32>
        %parallel_loop3A_107 = arith.addi %parallel_loop3A_102, %parallel_loop3A_106 : vector<16xi32>
        %parallel_loop3A_108 = arith.select %parallel_loop3A_104, %parallel_loop3A_107, %parallel_loop3A_102 : vector<16xi1>, vector<16xi32>
        %parallel_loop3A_109 = tpu.vector_load_idx %arg11[%parallel_loop3A_108] : memref<32xf32, #tpu.memory_space<vmem>>[vector<16xi32>], vector<16xf32>,
        %parallel_loop3A_110 = tpu.vector_load_idx %arg12[%parallel_loop3A_108] : memref<32xf32, #tpu.memory_space<vmem>>[vector<16xi32>], vector<16xf32>,
        %parallel_loop3A_111 = tpu.vector_load_idx %arg13[%parallel_loop3A_108] : memref<32xf32, #tpu.memory_space<vmem>>[vector<16xi32>], vector<16xf32>,
        %parallel_loop3A_112 = tpu.vector_load_idx %arg14[%parallel_loop3A_108] : memref<32xf32, #tpu.memory_space<vmem>>[vector<16xi32>], vector<16xf32>,
        %parallel_loop3A_113 = tpu.vector_load_idx %arg15[%parallel_loop3A_108] : memref<32xi32, #tpu.memory_space<vmem>>[vector<16xi32>], vector<16xi32>,
        %parallel_loop3A_114 = arith.constant -65536 : i32
        %parallel_loop3A_115 = vector.broadcast %parallel_loop3A_114 : i32 to vector<16xi32>
        %parallel_loop3A_116 = arith.andi %parallel_loop3A_113, %parallel_loop3A_115 : vector<16xi32>
        %parallel_loop3A_117 = vector.bitcast %parallel_loop3A_116 : vector<16xi32> to vector<16xf32>
        %parallel_loop3A_118 = arith.constant 16 : i32
        %parallel_loop3A_119 = vector.broadcast %parallel_loop3A_118 : i32 to vector<16xi32>
        %parallel_loop3A_120 = arith.shli %parallel_loop3A_113, %parallel_loop3A_119 : vector<16xi32>
        %parallel_loop3A_121 = vector.bitcast %parallel_loop3A_120 : vector<16xi32> to vector<16xf32>
        %parallel_loop3A_122 = arith.subf %parallel_loop3A_84, %parallel_loop3A_109 : vector<16xf32>
        %parallel_loop3A_123 = arith.mulf %parallel_loop3A_111, %parallel_loop3A_122 : vector<16xf32>
        %parallel_loop3A_124 = arith.addf %parallel_loop3A_123, %parallel_loop3A_112 : vector<16xf32>
        %parallel_loop3A_125 = arith.mulf %parallel_loop3A_124, %parallel_loop3A_122 : vector<16xf32>
        %parallel_loop3A_126 = arith.mulf %parallel_loop3A_121, %parallel_loop3A_122 : vector<16xf32>
        %parallel_loop3A_127 = arith.addf %parallel_loop3A_126, %parallel_loop3A_117 : vector<16xf32>
        %parallel_loop3A_128 = arith.mulf %parallel_loop3A_127, %parallel_loop3A_122 : vector<16xf32>
        %parallel_loop3A_129 = vector.broadcast %scan3A_13 : f32 to vector<16xf32>
        %parallel_loop3A_130 = arith.addf %parallel_loop3A_128, %parallel_loop3A_129 : vector<16xf32>
        %parallel_loop3A_131 = arith.divf %parallel_loop3A_125, %parallel_loop3A_130 : vector<16xf32>
        %parallel_loop3A_132 = arith.addf %parallel_loop3A_110, %parallel_loop3A_131 : vector<16xf32>
        %parallel_loop3A_133 = arith.constant 16 : i32
        %parallel_loop3A_134 = arith.muli %parallel_loop3A_80, %parallel_loop3A_133 : i32
        %parallel_loop3A_135 = arith.index_cast %parallel_loop3A_134 : i32 to index
        %parallel_loop3A_136 = tpu.vector_load %arg18[%parallel_loop3A_135] {strides = array<i32>} : memref<16384xf32, #tpu.memory_space<vmem>>, vector<16xf32>,
        tpu.vector_store %arg18[%parallel_loop3A_135], %parallel_loop3A_132 {strides = array<i32>} : memref<16384xf32, #tpu.memory_space<vmem>>, vector<16xf32>,
      } {sc.loop_unroll_factor = 12 : i64, sc.parallel_access}
      %mul3A_40 = arith.constant 16384 : i32
      %mul3A_41 = arith.muli %add3A_30, %mul3A_40 : i32
      %add3A_42 = arith.addi %mul3A_2, %mul3A_41 : i32
      %dma_start3A_43 = tpu.memref_slice %arg9[%add3A_42] : memref<16777216xf32, #tpu.memory_space<hbm>> -> memref<16384xf32, #tpu.memory_space<hbm>>
      %dma_start3A_44 = tpu.memref_slice %arg9[%add3A_42] : memref<16777216xf32, #tpu.memory_space<hbm>> -> memref<16384xf32, #tpu.memory_space<hbm>>
      tpu.enqueue_dma source(%arg18 : memref<16384xf32, #tpu.memory_space<vmem>>) target(%dma_start3A_44 : memref<16384xf32, #tpu.memory_space<hbm>>) target_semaphore(%arg22 : memref<!tpu.dma_semaphore, #tpu.memory_space<semaphore_mem>>)
      %add3A_45 = arith.constant 1 : i32
      %add3A_46 = arith.addi %scan3A_26, %add3A_45 : i32
      %lt3A = arith.constant 16 : i32
      %lt3A_47 = arith.cmpi slt, %add3A_46, %lt3A : i32
      %convert_element_type3A_48 = arith.extui %lt3A_47 : i1 to i32
      %cond3A_49 = arith.constant 0 : i32
      %cond3A_50 = arith.cmpi ne, %convert_element_type3A_48, %cond3A_49 : i32
      scf.if %cond3A_50 {
        %add3A_80 = arith.constant 2 : i32
        %add3A_81 = arith.addi %add3A_30, %add3A_80 : i32
        %mul3A_82 = arith.constant 16384 : i32
        %mul3A_83 = arith.muli %add3A_81, %mul3A_82 : i32
        %add3A_84 = arith.addi %mul3A_2, %mul3A_83 : i32
        %dma_start3A_85 = tpu.memref_slice %arg2[%add3A_84] : memref<16777216xf32, #tpu.memory_space<hbm>> -> memref<16384xf32, #tpu.memory_space<hbm>>
        %dma_start3A_86 = tpu.memref_slice %arg2[%add3A_84] : memref<16777216xf32, #tpu.memory_space<hbm>> -> memref<16384xf32, #tpu.memory_space<hbm>>
        tpu.enqueue_dma source(%dma_start3A_86 : memref<16384xf32, #tpu.memory_space<hbm>>) target(%arg16 : memref<16384xf32, #tpu.memory_space<vmem>>) target_semaphore(%arg20 : memref<!tpu.dma_semaphore, #tpu.memory_space<semaphore_mem>>)
      } else {
      }
      %mul3A_51 = arith.constant 2 : i32
      %mul3A_52 = arith.muli %scan3A_26, %mul3A_51 : i32
      %add3A_53 = arith.constant 1 : i32
      %add3A_54 = arith.addi %mul3A_52, %add3A_53 : i32
      %mul3A_55 = arith.constant 16384 : i32
      %mul3A_56 = arith.muli %add3A_54, %mul3A_55 : i32
      %add3A_57 = arith.addi %mul3A_2, %mul3A_56 : i32
      %dma_wait3A_58 = tpu.memref_slice %arg2[%add3A_57] : memref<16777216xf32, #tpu.memory_space<hbm>> -> memref<16384xf32, #tpu.memory_space<hbm>>
      %dma_wait3A_59 = tpu.memref_slice %arg2[%add3A_57] : memref<16777216xf32, #tpu.memory_space<hbm>> -> memref<16384xf32, #tpu.memory_space<hbm>>
      tpu.wait_dma2 semaphore(%arg21 : memref<!tpu.dma_semaphore, #tpu.memory_space<semaphore_mem>>) src(%dma_wait3A_59 : memref<16384xf32, #tpu.memory_space<hbm>>) dst(%arg17 : memref<16384xf32, #tpu.memory_space<vmem>>)
      %ge3A_60 = arith.constant 1 : i32
      %ge3A_61 = arith.cmpi sge, %scan3A_26, %ge3A_60 : i32
      %convert_element_type3A_62 = arith.extui %ge3A_61 : i1 to i32
      %cond3A_63 = arith.constant 0 : i32
      %cond3A_64 = arith.cmpi ne, %convert_element_type3A_62, %cond3A_63 : i32
      scf.if %cond3A_64 {
        %sub3A = arith.constant 2 : i32
        %sub3A_80 = arith.subi %add3A_54, %sub3A : i32
        %mul3A_81 = arith.constant 16384 : i32
        %mul3A_82 = arith.muli %sub3A_80, %mul3A_81 : i32
        %add3A_83 = arith.addi %mul3A_2, %mul3A_82 : i32
        %dma_wait3A_84 = tpu.memref_slice %arg9[%add3A_83] : memref<16777216xf32, #tpu.memory_space<hbm>> -> memref<16384xf32, #tpu.memory_space<hbm>>
        %dma_wait3A_85 = tpu.memref_slice %arg9[%add3A_83] : memref<16777216xf32, #tpu.memory_space<hbm>> -> memref<16384xf32, #tpu.memory_space<hbm>>
        tpu.wait_dma2 semaphore(%arg23 : memref<!tpu.dma_semaphore, #tpu.memory_space<semaphore_mem>>) src(%arg19 : memref<16384xf32, #tpu.memory_space<vmem>>) dst(%dma_wait3A_85 : memref<16384xf32, #tpu.memory_space<hbm>>)
      } else {
      }
      %parallel_loop3A_65 = arith.constant 0 : i32
      %parallel_loop3A_66 = arith.constant 1024 : i32
      %parallel_loop3A_67 = arith.constant 1 : i32
      scf.for %parallel_loop3A_80 = %parallel_loop3A_65 to %parallel_loop3A_66 step %parallel_loop3A_67  : i32 {
        %parallel_loop3A_81 = arith.constant 16 : i32
        %parallel_loop3A_82 = arith.muli %parallel_loop3A_80, %parallel_loop3A_81 : i32
        %parallel_loop3A_83 = arith.index_cast %parallel_loop3A_82 : i32 to index
        %parallel_loop3A_84 = tpu.vector_load %arg17[%parallel_loop3A_83] {strides = array<i32>} : memref<16384xf32, #tpu.memory_space<vmem>>, vector<16xf32>,
        %parallel_loop3A_85 = arith.constant 0.000000e+00 : f32
        %parallel_loop3A_86 = arith.subf %parallel_loop3A_85, %scan3A_10 : f32
        %parallel_loop3A_87 = vector.broadcast %parallel_loop3A_86 : f32 to vector<16xf32>
        %parallel_loop3A_88 = arith.maximumf %parallel_loop3A_84, %parallel_loop3A_87 : vector<16xf32>
        %parallel_loop3A_89 = vector.broadcast %scan3A_10 : f32 to vector<16xf32>
        %parallel_loop3A_90 = arith.minimumf %parallel_loop3A_88, %parallel_loop3A_89 : vector<16xf32>
        %parallel_loop3A_91 = vector.broadcast %scan3A_11 : f32 to vector<16xf32>
        %parallel_loop3A_92 = arith.mulf %parallel_loop3A_90, %parallel_loop3A_91 : vector<16xf32>
        %parallel_loop3A_93 = vector.broadcast %scan3A_12 : f32 to vector<16xf32>
        %parallel_loop3A_94 = arith.addf %parallel_loop3A_92, %parallel_loop3A_93 : vector<16xf32>
        %parallel_loop3A_95 = vector.bitcast %parallel_loop3A_94 : vector<16xf32> to vector<16xi32>
        %parallel_loop3A_96 = arith.constant 2047 : i32
        %parallel_loop3A_97 = vector.broadcast %parallel_loop3A_96 : i32 to vector<16xi32>
        %parallel_loop3A_98 = arith.andi %parallel_loop3A_95, %parallel_loop3A_97 : vector<16xi32>
        %parallel_loop3A_99 = tpu.vector_load_idx %arg10[%parallel_loop3A_98] : memref<2048xi32, #tpu.memory_space<vmem>>[vector<16xi32>], vector<16xi32>,
        %parallel_loop3A_100 = arith.constant 31 : i32
        %parallel_loop3A_101 = vector.broadcast %parallel_loop3A_100 : i32 to vector<16xi32>
        %parallel_loop3A_102 = arith.andi %parallel_loop3A_99, %parallel_loop3A_101 : vector<16xi32>
        %parallel_loop3A_103 = vector.bitcast %parallel_loop3A_99 : vector<16xi32> to vector<16xf32>
        %parallel_loop3A_104 = arith.cmpf olt, %parallel_loop3A_103, %parallel_loop3A_84 : vector<16xf32>
        %parallel_loop3A_105 = arith.constant 1 : i32
        %parallel_loop3A_106 = vector.broadcast %parallel_loop3A_105 : i32 to vector<16xi32>
        %parallel_loop3A_107 = arith.addi %parallel_loop3A_102, %parallel_loop3A_106 : vector<16xi32>
        %parallel_loop3A_108 = arith.select %parallel_loop3A_104, %parallel_loop3A_107, %parallel_loop3A_102 : vector<16xi1>, vector<16xi32>
        %parallel_loop3A_109 = tpu.vector_load_idx %arg11[%parallel_loop3A_108] : memref<32xf32, #tpu.memory_space<vmem>>[vector<16xi32>], vector<16xf32>,
        %parallel_loop3A_110 = tpu.vector_load_idx %arg12[%parallel_loop3A_108] : memref<32xf32, #tpu.memory_space<vmem>>[vector<16xi32>], vector<16xf32>,
        %parallel_loop3A_111 = tpu.vector_load_idx %arg13[%parallel_loop3A_108] : memref<32xf32, #tpu.memory_space<vmem>>[vector<16xi32>], vector<16xf32>,
        %parallel_loop3A_112 = tpu.vector_load_idx %arg14[%parallel_loop3A_108] : memref<32xf32, #tpu.memory_space<vmem>>[vector<16xi32>], vector<16xf32>,
        %parallel_loop3A_113 = tpu.vector_load_idx %arg15[%parallel_loop3A_108] : memref<32xi32, #tpu.memory_space<vmem>>[vector<16xi32>], vector<16xi32>,
        %parallel_loop3A_114 = arith.constant -65536 : i32
        %parallel_loop3A_115 = vector.broadcast %parallel_loop3A_114 : i32 to vector<16xi32>
        %parallel_loop3A_116 = arith.andi %parallel_loop3A_113, %parallel_loop3A_115 : vector<16xi32>
        %parallel_loop3A_117 = vector.bitcast %parallel_loop3A_116 : vector<16xi32> to vector<16xf32>
        %parallel_loop3A_118 = arith.constant 16 : i32
        %parallel_loop3A_119 = vector.broadcast %parallel_loop3A_118 : i32 to vector<16xi32>
        %parallel_loop3A_120 = arith.shli %parallel_loop3A_113, %parallel_loop3A_119 : vector<16xi32>
        %parallel_loop3A_121 = vector.bitcast %parallel_loop3A_120 : vector<16xi32> to vector<16xf32>
        %parallel_loop3A_122 = arith.subf %parallel_loop3A_84, %parallel_loop3A_109 : vector<16xf32>
        %parallel_loop3A_123 = arith.mulf %parallel_loop3A_111, %parallel_loop3A_122 : vector<16xf32>
        %parallel_loop3A_124 = arith.addf %parallel_loop3A_123, %parallel_loop3A_112 : vector<16xf32>
        %parallel_loop3A_125 = arith.mulf %parallel_loop3A_124, %parallel_loop3A_122 : vector<16xf32>
        %parallel_loop3A_126 = arith.mulf %parallel_loop3A_121, %parallel_loop3A_122 : vector<16xf32>
        %parallel_loop3A_127 = arith.addf %parallel_loop3A_126, %parallel_loop3A_117 : vector<16xf32>
        %parallel_loop3A_128 = arith.mulf %parallel_loop3A_127, %parallel_loop3A_122 : vector<16xf32>
        %parallel_loop3A_129 = vector.broadcast %scan3A_13 : f32 to vector<16xf32>
        %parallel_loop3A_130 = arith.addf %parallel_loop3A_128, %parallel_loop3A_129 : vector<16xf32>
        %parallel_loop3A_131 = arith.divf %parallel_loop3A_125, %parallel_loop3A_130 : vector<16xf32>
        %parallel_loop3A_132 = arith.addf %parallel_loop3A_110, %parallel_loop3A_131 : vector<16xf32>
        %parallel_loop3A_133 = arith.constant 16 : i32
        %parallel_loop3A_134 = arith.muli %parallel_loop3A_80, %parallel_loop3A_133 : i32
        %parallel_loop3A_135 = arith.index_cast %parallel_loop3A_134 : i32 to index
        %parallel_loop3A_136 = tpu.vector_load %arg19[%parallel_loop3A_135] {strides = array<i32>} : memref<16384xf32, #tpu.memory_space<vmem>>, vector<16xf32>,
        tpu.vector_store %arg19[%parallel_loop3A_135], %parallel_loop3A_132 {strides = array<i32>} : memref<16384xf32, #tpu.memory_space<vmem>>, vector<16xf32>,
      } {sc.loop_unroll_factor = 12 : i64, sc.parallel_access}
      %mul3A_68 = arith.constant 16384 : i32
      %mul3A_69 = arith.muli %add3A_54, %mul3A_68 : i32
      %add3A_70 = arith.addi %mul3A_2, %mul3A_69 : i32
      %dma_start3A_71 = tpu.memref_slice %arg9[%add3A_70] : memref<16777216xf32, #tpu.memory_space<hbm>> -> memref<16384xf32, #tpu.memory_space<hbm>>
      %dma_start3A_72 = tpu.memref_slice %arg9[%add3A_70] : memref<16777216xf32, #tpu.memory_space<hbm>> -> memref<16384xf32, #tpu.memory_space<hbm>>
      tpu.enqueue_dma source(%arg19 : memref<16384xf32, #tpu.memory_space<vmem>>) target(%dma_start3A_72 : memref<16384xf32, #tpu.memory_space<hbm>>) target_semaphore(%arg23 : memref<!tpu.dma_semaphore, #tpu.memory_space<semaphore_mem>>)
      %add3A_73 = arith.constant 1 : i32
      %add3A_74 = arith.addi %scan3A_26, %add3A_73 : i32
      %lt3A_75 = arith.constant 16 : i32
      %lt3A_76 = arith.cmpi slt, %add3A_74, %lt3A_75 : i32
      %convert_element_type3A_77 = arith.extui %lt3A_76 : i1 to i32
      %cond3A_78 = arith.constant 0 : i32
      %cond3A_79 = arith.cmpi ne, %convert_element_type3A_77, %cond3A_78 : i32
      scf.if %cond3A_79 {
        %add3A_80 = arith.constant 2 : i32
        %add3A_81 = arith.addi %add3A_54, %add3A_80 : i32
        %mul3A_82 = arith.constant 16384 : i32
        %mul3A_83 = arith.muli %add3A_81, %mul3A_82 : i32
        %add3A_84 = arith.addi %mul3A_2, %mul3A_83 : i32
        %dma_start3A_85 = tpu.memref_slice %arg2[%add3A_84] : memref<16777216xf32, #tpu.memory_space<hbm>> -> memref<16384xf32, #tpu.memory_space<hbm>>
        %dma_start3A_86 = tpu.memref_slice %arg2[%add3A_84] : memref<16777216xf32, #tpu.memory_space<hbm>> -> memref<16384xf32, #tpu.memory_space<hbm>>
        tpu.enqueue_dma source(%dma_start3A_86 : memref<16384xf32, #tpu.memory_space<hbm>>) target(%arg17 : memref<16384xf32, #tpu.memory_space<vmem>>) target_semaphore(%arg21 : memref<!tpu.dma_semaphore, #tpu.memory_space<semaphore_mem>>)
      } else {
      }
    }
    %scan3A_18 = arith.constant 16 : i32
    %add3A_19 = arith.constant 491520 : i32
    %add3A_20 = arith.addi %mul3A_2, %add3A_19 : i32
    %dma_wait3A = tpu.memref_slice %arg9[%add3A_20] : memref<16777216xf32, #tpu.memory_space<hbm>> -> memref<16384xf32, #tpu.memory_space<hbm>>
    %dma_wait3A_21 = tpu.memref_slice %arg9[%add3A_20] : memref<16777216xf32, #tpu.memory_space<hbm>> -> memref<16384xf32, #tpu.memory_space<hbm>>
    tpu.wait_dma2 semaphore(%arg22 : memref<!tpu.dma_semaphore, #tpu.memory_space<semaphore_mem>>) src(%arg18 : memref<16384xf32, #tpu.memory_space<vmem>>) dst(%dma_wait3A_21 : memref<16384xf32, #tpu.memory_space<hbm>>)
    %add3A_22 = arith.constant 507904 : i32
    %add3A_23 = arith.addi %mul3A_2, %add3A_22 : i32
    %dma_wait3A_24 = tpu.memref_slice %arg9[%add3A_23] : memref<16777216xf32, #tpu.memory_space<hbm>> -> memref<16384xf32, #tpu.memory_space<hbm>>
    %dma_wait3A_25 = tpu.memref_slice %arg9[%add3A_23] : memref<16777216xf32, #tpu.memory_space<hbm>> -> memref<16384xf32, #tpu.memory_space<hbm>>
    tpu.wait_dma2 semaphore(%arg23 : memref<!tpu.dma_semaphore, #tpu.memory_space<semaphore_mem>>) src(%arg19 : memref<16384xf32, #tpu.memory_space<vmem>>) dst(%dma_wait3A_25 : memref<16384xf32, #tpu.memory_space<hbm>>)
    return
  }
}

</mosaic_0001>

<sc_bundles>
// kernel: kernel.3.cloned.1.call-start
scs
__scs_entry_jumppad:
0x0: {  	(pc) =	sbr.rel $0x88, $3  }
0x1: {  	(tag) =	ssettag $0x0;
	lr =	simm.s32 $0x1  }
0x2: {  	[smem:$0x3F9D] =	sst lr;
	_ =	strace $0xD0000000  }
0x3: {  	_ = 	snop  }
0x4: {  	_ = 	snop  }
0x5: {  	_ = 	snop  }
0x6: {  	_ = 	snop  }
0x7: {  	_ = 	snop  }
__scs_overlays_trampoline_lowered:
0x8: {  	[smem:$0x3FAC] =	sst s0  }
0x9: {  	[smem:$0x3FAD] =	sst s1  }
0xa: {  	[smem:$0x3FAE] =	sst s2  }
0xb: {  	[smem:$0x3FAF] =	sst s3  }
0xc: {  	[smem:$0x3FB0] =	sst s4  }
0xd: {  	[smem:$0x3FB1] =	sst s5  }
0xe: {  	[smem:$0x3FB2] =	sst s6  }
0xf: {  	[smem:$0x3FB3] =	sst s7  }
0x10: {  	[smem:$0x3FB4] =	sst s8  }
0x11: {  	[smem:$0x3FB5] =	sst s9;
	s0 =	simm.s32 @!p0 $0x0  }
0x12: {  	s1 =	sld [smem:$0x3F9B];
	s0 =	simm.s32 @p0 $0x1  }
0x13: {  	[smem:$0x3FB6] =	sst s0;
	s0 =	simm.s32 @!p1 $0x0  }
0x14: {  	s2 =	sld [smem:$0x3F9A];
	s0 =	simm.s32 @p1 $0x1  }
0x15: {  	[smem:$0x3FB7] =	sst s0;
	s0 =	simm.s32 @!p2 $0x0  }
0x16: {  	s3 =	sld [smem:$0x3FDB];
	s0 =	simm.s32 @p2 $0x1  }
0x17: {  	s4 =	simm.s32 $0x1BF5;
	[smem:$0x3FB9] =	sst s0  }
0x18: {  	s0 =	sld [smem:$0x3F9C];
	_ =	swait.ge [sflag:s4], $0x0  }
0x19: {  	s7 =	sld [smem:$0x3F9D]  }
0x1a: {  	s8 =	sadd.s32 $0xFFFFE003, lr  }
0x1b: {  	s9 =	sadd.s32 $0xFFFFFEF7, lr;
	s5 =	simm.s32 $0xFFFFFFFF;
	p2 =	slt.u32 s8, $0xFFFFF086  }
0x1c: {  	p1 =	slt.u32 s9, $0xF7A;
	s5 =	simm.s32 @!p2 $0x0  }
0x1d: {  	s5 =	simm.s32 @p1 $0x1;
	p0 =	seq.s32 s7, s2  }
0x1e: {  	s7 =	smul.u32 @!p0 $0xF7A, s2;
	p2 =	seq.s32 @!p0 s5, $0x0  }
0x1f: {  	s9 =	smul.u32 $0xF7A, s1;
	s8 =	simm.s32 @!p0 $0x1BF5;
	p2 =	por !p2, p0  }
0x20: {  	[sflag:s8] =	ssyncset.s32 @!p0 $0xFFFFF086;
	s6 =	sadd.s32 @!p0 s3, s7;
	s7 =	simm.s32 @!p0 $0x108  }
0x21: {  	s3 =	sadd.s32 s3, s9;
	s6 =	sadd.s32 @!p0 $0x88, s6;
	s7 =	simm.s32 @p2 $0x1082  }
0x22: {  	[simem:s7], [sflag:s8] =	dma.local @!p0 [hbm:s6], $0xF7A  }
0x23: {  	s9 =	sor.u32 $0xD0000000, s2;
	s6 =	simm.s32 $0x108;
	_ =	swait.ge @!p0 [sflag:s8], $0x0  }
0x24: {  	s3 =	sadd.s32 $0x88, s3;
	s6 =	simm.s32 @!p1 $0x1082;
	[sflag:s4] =	ssyncset.s32 $0xFFFFF086  }
0x25: {  	[simem:s6], [sflag:s4] =	dma.local [hbm:s3], $0xF7A  }
0x26: {  	[smem:$0x3F9D] =	sst s1;
	(tag) =	ssettag s2;
	_ =	strace s9  }
0x27: {  	s1 =	sld [smem:$0x3FAD]  }
0x28: {  	s2 =	sld [smem:$0x3FAE]  }
0x29: {  	s4 =	sld [smem:$0x3FB0]  }
0x2a: {  	p0 =	seq.s32 s5, $0x0;
	s5 =	sld [smem:$0x3FB1]  }
0x2b: {  	s6 =	sld [smem:$0x3FB2]  }
0x2c: {  	s7 =	sld [smem:$0x3FB3]  }
0x2d: {  	s3 =	simm.s32 $0x108;
	s8 =	sld [smem:$0x3FB4]  }
0x2e: {  	s3 =	simm.s32 @!p0 $0x1082;
	s9 =	sld [smem:$0x3FB5]  }
0x2f: {  	lr =	sadd.s32 s0, s3;
	s0 =	sld [smem:$0x3FAC]  }
0x30: {  	s3 =	sld [smem:$0x3FAF]  }
0x31: {  	[smem:$0x3FB8] =	sst s10  }
0x32: {  	s10 =	sld [smem:$0x3FB6];
	_ =	sdelay $0x3  }
0x33: {  	p0 =	seq.s32 s10, $0x1;
	s10 =	sld [smem:$0x3FB8];
	_ =	sdelay $0x3  }
0x34: {  	[smem:$0x3FB8] =	sst s10  }
0x35: {  	s10 =	sld [smem:$0x3FB7];
	_ =	sdelay $0x3  }
0x36: {  	p1 =	seq.s32 s10, $0x1;
	s10 =	sld [smem:$0x3FB8];
	_ =	sdelay $0x3  }
0x37: {  	[smem:$0x3FB8] =	sst s10  }
0x38: {  	s10 =	sld [smem:$0x3FB9]  }
0x39: {  	_ = 	snop;
	(pc) =	sbr.ind lr, $3  }
0x3a: {  	_ = 	snop  }
0x3b: {  	_ = 	snop  }
0x3c: {  	p2 =	seq.s32 s10, $0x1;
	s10 =	sld [smem:$0x3FB8]  }
0x3d: {  	_ =	shalt  }
0x3e: {  	_ =	shalt  }
0x3f: {  	_ =	shalt  }
0x40: {  	_ =	shalt  }
0x41: {  	_ =	shalt  }
0x42: {  	_ =	shalt  }
0x43: {  	_ =	shalt  }
0x44: {  	_ =	shalt  }
0x45: {  	_ =	shalt  }
0x46: {  	_ =	shalt  }
0x47: {  	_ =	shalt  }
0x48: {  	_ =	shalt  }
0x49: {  	_ =	shalt  }
0x4a: {  	_ =	shalt  }
0x4b: {  	_ =	shalt  }
0x4c: {  	_ =	shalt  }
0x4d: {  	_ =	shalt  }
0x4e: {  	_ =	shalt  }
0x4f: {  	_ =	shalt  }
0x50: {  	_ =	shalt  }
0x51: {  	_ =	shalt  }
0x52: {  	_ =	shalt  }
0x53: {  	_ =	shalt  }
0x54: {  	_ =	shalt  }
0x55: {  	_ =	shalt  }
0x56: {  	_ =	shalt  }
0x57: {  	_ =	shalt  }
0x58: {  	_ =	shalt  }
0x59: {  	_ =	shalt  }
0x5a: {  	_ =	shalt  }
0x5b: {  	_ =	shalt  }
0x5c: {  	_ =	shalt  }
0x5d: {  	_ =	shalt  }
0x5e: {  	_ =	shalt  }
0x5f: {  	_ =	shalt  }
0x60: {  	_ =	shalt  }
0x61: {  	_ =	shalt  }
0x62: {  	_ =	shalt  }
0x63: {  	_ =	shalt  }
0x64: {  	_ =	shalt  }
0x65: {  	_ =	shalt  }
0x66: {  	_ =	shalt  }
0x67: {  	_ =	shalt  }
0x68: {  	_ =	shalt  }
0x69: {  	_ =	shalt  }
0x6a: {  	_ =	shalt  }
0x6b: {  	_ =	shalt  }
0x6c: {  	_ =	shalt  }
0x6d: {  	_ =	shalt  }
0x6e: {  	_ =	shalt  }
0x6f: {  	_ =	shalt  }
0x70: {  	_ =	shalt  }
0x71: {  	_ =	shalt  }
0x72: {  	_ =	shalt  }
0x73: {  	_ =	shalt  }
0x74: {  	_ =	shalt  }
0x75: {  	_ =	shalt  }
0x76: {  	_ =	shalt  }
0x77: {  	_ =	shalt  }
0x78: {  	_ =	shalt  }
0x79: {  	_ =	shalt  }
0x7a: {  	_ =	shalt  }
0x7b: {  	_ =	shalt  }
0x7c: {  	_ =	shalt  }
0x7d: {  	_ =	shalt  }
0x7e: {  	_ =	shalt  }
0x7f: {  	_ =	shalt  }
0x80: {  	_ =	shalt  }
0x81: {  	_ =	shalt  }
0x82: {  	_ =	shalt  }
0x83: {  	_ =	shalt  }
0x84: {  	_ =	shalt  }
0x85: {  	_ =	shalt  }
0x86: {  	_ =	shalt  }
0x87: {  	_ =	shalt  }
.Lfunc_end0:
.L_simem_size_0:
called_computation_lowered:
.L_overlay_start_0:
0x88: {  	s2 =	sld [smem:$0x3FD9]  }
0x89: {  	s3 =	sld [smem:$0x3FFE];
	_ =	sdelay $0x1  }
0x8a: {  	s1 =	srdreg.scid  }
0x8b: {  	s0 =	sand.u32 $0x1, s1  }
0x8c: {  	s17 =	sshll.u32 s0, $0xA;
	s2 =	sadd.s32 s3, s2  }
0x8d: {  	s2 =	sadd.s32 s2, s17  }
0x8e: {  	[smem:$0x3FC4] =	sst s2  }
0x8f: {  	_ = 	snop  }
0x90: {  	s2 =	sld [smem:$0x3FC9]  }
0x91: {  	s18 =	sld [smem:$0x3FD0];
	(tm) =	ssettm $0x1  }
0x92: {  	s4 =	sld [smem:$0x3FFB];
	_ =	sdelay $0x3  }
0x93: {  	_ =	strace s4  }
0x94: {  	s4 =	sld [smem:$0x3FFC];
	_ =	sdelay $0x3  }
0x95: {  	_ =	strace s4  }
0x96: {  	s4 =	sld [smem:$0x3FFD];
	_ =	sdelay $0x3  }
0x97: {  	_ =	strace s4  }
0x98: {  	_ =	strace $0x8FFFFFFF  }
0x99: {  	s19 =	sld [smem:$0x3FDB];
	_ =	sdelay $0x1  }
0x9a: {  	s5 =	simm.s32 $_scs_section_size  }
0x9b: {  	s6 =	simm.s32 $_size__tile_overlayer_lowered;
	s7 =	simm.s32 $_tile_overlayer_lowered  }
0x9c: {  	s22 =	simm.s32 $0x1BFF;
	s21 =	sshll.u32 s7, $0x1;
	s4 =	sadd.s32 s5, s19  }
0x9d: {  	s8 =	simm.s32 $0x0;
	s20 =	sshll.u32 s6, $0x1;
	s6 =	sadd.s32 s21, s4  }
0x9e: {  	[timem:s8], [sflag:s22] =	dma.local [hbm:s6], s20  }
0x9f: {  	_ =	swait.ge [sflag:s22], s20  }
0xa0: {  	s5 =	ssub.s32 $0x0, s20;
	[sflag:s22] =	ssyncset.done $0x0  }
0xa1: {  	[sflag:s22] =	ssyncadd.s32 s5;
	_ =	sdelay $0x1  }
0xa2: {  	s23 =	simm.s32 $0x1B8B  }
0xa3: {  	_ =	swait.ge [sflag:s23], $0x1  }
0xa4: {  	[sflag:s23] =	ssyncset.done $0x0  }
0xa5: {  	s25 =	simm.s32 $0x1B8E;
	s24 =	sld [smem:$0x3FFE];
	[sflag:s23] =	ssyncadd.s32 $0xFFFFFFFF  }
0xa6: {  	s26 =	simm.s32 $execute0_lowered;
	[smem:$0x3FD2] =	sst s25  }
0xa7: {  	s6 =	sshll.u32 s26, $0x1;
	_ =	strace $0x80000046;
	[dreg:$0x1] =	wrdreg $0xFFFFFFFF  }
0xa8: {  	s28 =	simm.s32 $_size_execute0_lowered;
	s4 =	sadd.s32 s4, s6;
	[dreg:$0x0] =	wrdreg $0x0  }
0xa9: {  	s6 =	sshll.u32 s28, $0x1;
	[dreg:$0x2] =	wrdreg s4  }
0xaa: {  	[dreg:$0x3] =	wrdreg s6  }
0xab: {  	[dreg:$0x4] =	wrdreg $0xC0  }
0xac: {  	_ =	task [dreg:s8], $0x5FFFF  }
0xad: {  	[dreg:$0x1] =	wrdreg $0xFFFFFFFF  }
0xae: {  	[dreg:$0x0] =	wrdreg $0x60  }
0xaf: {  	[dreg:$0x2] =	wrdreg s2  }
0xb0: {  	[dreg:$0x3] =	wrdreg s24  }
0xb1: {  	[dreg:$0x4] =	wrdreg s18  }
0xb2: {  	[dreg:$0x5] =	wrdreg $0x9  }
0xb3: {  	_ =	task.clear_ibuf [dreg:s8], $0x6FFFF;
	_ =	strace $0x90000046  }
0xb4: {  	s29 =	simm.s32 $0x9;
	_ =	strace $0x80000048  }
0xb5: {  	_ =	swait.ge [sflag:s29], $0x1  }
0xb6: {  	[sflag:s29] =	ssyncadd.s32 $0xFFFFFFFF  }
0xb7: {  	_ =	strace $0x90000048  }
0xb8: {  	_ =	sfence  }
0xb9: {  	s30 =	sld [smem:$0x0];
	_ =	sdelay $0x2  }
0xba: {  	s31 =	sshll.u32 s1, $0xD;
	s1 =	sshrl.u32 s1, $0x2  }
0xbb: {  	s3 =	sand.u32 $0x4000, s31;
	s1 =	sadd.s32 s1, s30  }
0xbc: {  	s0 =	sor.u32 s3, s0;
	s1 =	sshll.u32 s1, $0x11  }
0xbd: {  	s0 =	sor.u32 s1, s0  }
0xbe: {  	s0 =	sadd.s32 $0x8F2B, s0  }
0xbf: {  	[sflag:s0] =	ssyncadd.remote.s32 $0x1  }
0xc0: {  	_ =	sfence.sel $0xFFFF  }
0xc1: {  	[dreg:$0x0] =	wrdreg $0xFFFFFFFF;
	(pc) =	sbr.abs _section_cstart, $3  }
0xc2: {  	[dreg:$0x1] =	wrdreg $0xFFFFFFFF  }
0xc3: {  	_ =	task.clear_ibuf [dreg:s8], $0x2FFFF;
	_ =	strace $0x9FFFFFFF  }
0xc4: {  	(tm) =	ssettm $0x7FFFFFFF  }
0xc5: {  	_ =	shalt  }
tec
execute0_lowered:
.L_overlay_start_1:
0x0: {  	(tag) =	ssettag $0x1  }
0x1: {  	s1 =	rddreg [dreg:$0x0]  }
0x2: {  	s6 =	rddreg [dreg:$0x1]  }
0x3: {  	s3 =	rddreg [dreg:$0x2]  }
0x4: {  	s5 =	simm.s32 $0x0;
	s0 =	srdreg.scid;
	s2 =	stileid.u32  }
0x5: {  	s17 =	simm.s32 $0x5;
	s18 =	simm.s32 $0x800;
	s19 =	simm.s32 $0x880  }
0x6: {  	s20 =	simm.s32 $0x900;
	s21 =	simm.s32 $0x980;
	s28 =	simm.s32 $0x2  }
0x7: {  	s29 =	simm.s32 $0x4;
	s30 =	simm.s32 $0xCA80;
	s31 =	simm.s32 $0x3  }
0x8: {  	[smem:$0x7FF] =	sst s5;
	s0 =	sand.u32 $0x1, s0;
	s7 =	sadd.s32 $0x600, s6  }
0x9: {  	s22 =	sadd.s32 $0x200, s6;
	_ =	strace $0x80000047;
	[dreg:$0x4] =	wrdreg s7  }
0xa: {  	s2 =	sshll.u32 s2, $0x14;
	s23 =	sadd.s32 $0x2200, s6;
	[dreg:$0x5] =	wrdreg s22  }
0xb: {  	s25 =	sadd.s32 $0xA00, s6;
	s6 =	sadd.s32 $0x400, s6;
	[dreg:$0x6] =	wrdreg s23  }
0xc: {  	s4 =	sshll.u32 s0, $0x13;
	s0 =	ssub.s32 $0x2, s0;
	[dreg:$0x7] =	wrdreg s25  }
0xd: {  	[dreg:$0x9] =	wrdreg s6;
	s22 =	simm.s32 $0xA00;
	s8 =	sor.u32 s4, s2  }
0xe: {  	s23 =	simm.s32 $0xA80;
	s26 =	sshrl.u32 s0, $0x1;
	s24 =	sshrl.u32 s8, $0x3  }
0xf: {  	s25 =	simm.s32 $0x1;
	s0 =	ssub.s32 s0, s26;
	s2 =	sadd.s32 s1, s24  }
0x10: {  	s14 =	sor.u32 $0x8000, s8;
	s0 =	smax.u32 s0, $0x1;
	[dreg:$0x8] =	wrdreg s2  }
0x11: {  	s15 =	sor.u32 $0xC000, s8;
	s2 =	sadd.s32 $0x800, s2;
	[dreg:$0xb] =	wrdreg s0  }
0x12: {  	v0 =	vimm.s32 $0x0;
	s26 =	simm.s32 $0x8A80;
	s0 =	simm.s32 $0x0;
	[dreg:$0xa] =	wrdreg s2  }
.LBB2_1:
0x13: {  	s2 =	rddreg [dreg:$0x4]  }
0x14: {  	[tilespmem:s5], [sflag:$0x5] =	stream.linear.gather [hbm4b:s2+s5], $0x800, $0x38;
	[tilespmem:$0x10A80] =	vst v63  }
0x15: {  	_ =	swait.ge [sflag:s17], $0x800  }
0x16: {  	[sflag:s17] =	ssyncset.done $0x0  }
0x17: {  	s9 =	rddreg [dreg:$0x5];
	[sflag:s17] =	ssyncadd.s32 $0xFFFFF800  }
0x18: {  	[tilespmem:s18], [sflag:$0x5] =	stream.linear.gather [hbm4b:s9+s5], $0x80, $0x38;
	[tilespmem:$0x10A80] =	vst v63  }
0x19: {  	_ =	swait.ge [sflag:s17], $0x80  }
0x1a: {  	[sflag:s17] =	ssyncset.done $0x0  }
0x1b: {  	s10 =	rddreg [dreg:$0x6];
	[sflag:s17] =	ssyncadd.s32 $0xFFFFFF80  }
0x1c: {  	[tilespmem:s19], [sflag:$0x5] =	stream.linear.gather [hbm4b:s10+s5], $0x80, $0x38;
	[tilespmem:$0x10A80] =	vst v63  }
0x1d: {  	_ =	swait.ge [sflag:s17], $0x80  }
0x1e: {  	[sflag:s17] =	ssyncset.done $0x0  }
0x1f: {  	s11 =	rddreg [dreg:$0x7];
	[sflag:s17] =	ssyncadd.s32 $0xFFFFFF80  }
0x20: {  	[tilespmem:s20], [sflag:$0x5] =	stream.linear.gather [hbm4b:s11+s5], $0x80, $0x38;
	[tilespmem:$0x10A80] =	vst v63  }
0x21: {  	_ =	swait.ge [sflag:s17], $0x80  }
0x22: {  	[sflag:s17] =	ssyncset.done $0x0  }
0x23: {  	s12 =	rddreg [dreg:$0x9];
	[sflag:s17] =	ssyncadd.s32 $0xFFFFFF80  }
0x24: {  	[tilespmem:s21], [sflag:$0x5] =	stream.linear.gather [hbm4b:s12+s5], $0x80, $0x38;
	[tilespmem:$0x10A80] =	vst v63  }
0x25: {  	_ =	swait.ge [sflag:s17], $0x80  }
0x26: {  	[sflag:s17] =	ssyncset.done $0x0  }
0x27: {  	[sflag:s17] =	ssyncadd.s32 $0xFFFFFF80  }
0x28: {  	s13 =	rddreg [dreg:$0x1]  }
0x29: {  	[tilespmem:s22], [sflag:$0x5] =	stream.linear.gather [hbm4b:s13+s5], $0x80, $0x38;
	[tilespmem:$0x10A80] =	vst v63  }
0x2a: {  	_ =	swait.ge [sflag:s17], $0x80  }
0x2b: {  	[sflag:s17] =	ssyncset.done $0x0  }
0x2c: {  	s16 =	rddreg [dreg:$0x8];
	[sflag:s17] =	ssyncadd.s32 $0xFFFFFF80  }
0x2d: {  	[tilespmem:s23], [sflag:$0x1] =	stream.linear.gather [hbm4b:s16+s5], $0x4000, $0x38;
	[tilespmem:$0x10A80] =	vst v63  }
0x2e: {  	s4 =	simm.s32 $0x4A80;
	s9 =	simm.s32 $0x0;
	s24 =	rddreg [dreg:$0xa]  }
0x2f: {  	[tilespmem:s4], [sflag:$0x2] =	stream.linear.gather [hbm4b:s24+s5], $0x4000, $0x38;
	[tilespmem:$0x10A80] =	vst v63  }
.LBB2_2:
0x30: {  	_ =	swait.ge [sflag:s25], $0x4000  }
0x31: {  	p0 =	seq.s32 s9, $0x0;
	[sflag:s25] =	ssyncset.done $0x0  }
0x32: {  	s2 =	simm.s32 @!p0 $0x3;
	[sflag:s25] =	ssyncadd.s32 $0xFFFFC000  }
0x33: {  	_ =	swait.ge @!p0 [sflag:s2], $0x4000  }
0x34: {  	[sflag:s2] =	ssyncset.done @!p0 $0x0  }
0x35: {  	s6 =	simm.s32 $0xAE0;
	[sflag:s2] =	ssyncadd.s32 @!p0 $0xFFFFC000  }
0x36: {  	s2 =	simm.s32 $0x0;
	v3 =	vld [tilespmem:s6+$0x50]  }
0x37: {  	s4 =	sand.u32 $0x3FC0, s2;
	v17 =	vld [tilespmem:s6+$0xFFFFFFB0]  }
0x38: {  	v4 =	vld [tilespmem:s4+$0xB00]  }
0x39: {  	v16 =	vld [tilespmem:s6+$0xFFFFFFC0]  }
0x3a: {  	v9 =	vld [tilespmem:s6+$0xFFFFFFD0]  }
0x3b: {  	v11 =	vld [tilespmem:s6+$0xFFFFFFE0];
	v1 =	vmax.f32 v3, $-5.500000000e+00  }
0x3c: {  	v13 =	vld [tilespmem:s6+$0xFFFFFFF0];
	v1 =	vmin.f32 v1, $5.500000000e+00  }
0x3d: {  	v12 =	vld [tilespmem:s6+$0x0];
	v2 =	vmax.f32 v4, $-5.500000000e+00;
	v1 =	vmul.f32 $1.860909120e+02, v1  }
0x3e: {  	v14 =	vld [tilespmem:s6+$0x10];
	v2 =	vmin.f32 v2, $5.500000000e+00  }
0x3f: {  	v15 =	vld [tilespmem:s6+$0x30];
	v2 =	vmul.f32 $1.860909120e+02, v2;
	v1 =	vadd.f32 $8.389632000e+06, v1  }
0x40: {  	v19 =	vld [tilespmem:s6+$0x40]  }
0x41: {  	v18 =	vld [tilespmem:s6+$0xFFFFFFA0];
	v2 =	vadd.f32 $8.389632000e+06, v2;
	v1 =	vand.u32 $0x7FF, v1  }
0x42: {  	v5 =	vmax.f32 v17, $-5.500000000e+00;
	v6 =	vmax.f32 v16, $-5.500000000e+00  }
0x43: {  	v7 =	vmax.f32 v9, $-5.500000000e+00;
	v8 =	vmax.f32 v11, $-5.500000000e+00;
	v2 =	vand.u32 $0x7FF, v2  }
0x44: {  	v10 =	vmax.f32 v13, $-5.500000000e+00;
	v20 =	vmax.f32 v12, $-5.500000000e+00;
	v21 =	vmax.f32 v14, $-5.500000000e+00  }
0x45: {  	v22 =	vmax.f32 v15, $-5.500000000e+00;
	v23 =	vmax.f32 v19, $-5.500000000e+00;
	v5 =	vmin.f32 v5, $5.500000000e+00  }
0x46: {  	v24 =	vmax.f32 v18, $-5.500000000e+00;
	v6 =	vmin.f32 v6, $5.500000000e+00;
	v5 =	vmul.f32 $1.860909120e+02, v5;
	v1 =	vld.idx.msk [tilespmem:v1+s2+$0x0], $0xffff  }
0x47: {  	v7 =	vmin.f32 v7, $5.500000000e+00;
	v8 =	vmin.f32 v8, $5.500000000e+00;
	v6 =	vmul.f32 $1.860909120e+02, v6  }
0x48: {  	v10 =	vmin.f32 v10, $5.500000000e+00;
	v7 =	vmul.f32 $1.860909120e+02, v7;
	v5 =	vadd.f32 $8.389632000e+06, v5;
	v2 =	vld.idx.msk [tilespmem:v2+s2+$0x0], $0xffff  }
0x49: {  	v20 =	vmin.f32 v20, $5.500000000e+00;
	v21 =	vmin.f32 v21, $5.500000000e+00;
	v6 =	vadd.f32 $8.389632000e+06, v6  }
0x4a: {  	v22 =	vmin.f32 v22, $5.500000000e+00;
	v7 =	vadd.f32 $8.389632000e+06, v7;
	v5 =	vand.u32 $0x7FF, v5  }
0x4b: {  	v24 =	vmin.f32 v24, $5.500000000e+00;
	v6 =	vand.u32 $0x7FF, v6;
	vm0 =	vgt.f32 v3, v1  }
0x4c: {  	v7 =	vand.u32 $0x7FF, v7;
	v1 =	vand.u32 $0x1F, v1;
	v25 =	vsel vm0, $0x1, v0  }
0x4d: {  	v24 =	vmul.f32 $1.860909120e+02, v24;
	vm6 =	vgt.f32 v4, v2;
	v25 =	vadd.s32 v25, v1  }
0x4e: {  	v2 =	vand.u32 $0x1F, v2;
	v1 =	vmul.f32 $1.860909120e+02, v8;
	v8 =	vsel vm6, $0x1, v0  }
0x4f: {  	v24 =	vadd.f32 $8.389632000e+06, v24;
	v5 =	vld.idx.msk [tilespmem:v5+s2+$0x0], $0xffff;
	v8 =	vadd.s32 v8, v2;
	v2 =	vmul.f32 $1.860909120e+02, v10  }
0x50: {  	v23 =	vmin.f32 v23, $5.500000000e+00;
	v6 =	vld.idx.msk [tilespmem:v6+s2+$0x0], $0xffff;
	v10 =	vmul.f32 $1.860909120e+02, v20;
	v1 =	vadd.f32 $8.389632000e+06, v1  }
0x51: {  	v7 =	vld.idx.msk [tilespmem:v7+s2+$0x0], $0xffff;
	v20 =	vmul.f32 $1.860909120e+02, v21;
	v21 =	vand.u32 $0x7FF, v24;
	v2 =	vadd.f32 $8.389632000e+06, v2  }
0x52: {  	v22 =	vmul.f32 $1.860909120e+02, v22;
	v10 =	vadd.f32 $8.389632000e+06, v10;
	v1 =	vand.u32 $0x7FF, v1;
	v24 =	vld.idx.msk [tilespmem:v25+s22+$0x0], $0xffff  }
0x53: {  	v23 =	vmul.f32 $1.860909120e+02, v23;
	v20 =	vadd.f32 $8.389632000e+06, v20;
	v26 =	vld.idx.msk [tilespmem:v25+s18+$0x0], $0xffff;
	v27 =	vand.u32 $0x7FF, v2  }
0x54: {  	v2 =	vadd.f32 $8.389632000e+06, v22;
	v10 =	vand.u32 $0x7FF, v10;
	v28 =	vld.idx.msk [tilespmem:v8+s18+$0x0], $0xffff  }
0x55: {  	vm7 =	vgt.f32 v17, v5;
	v22 =	vadd.f32 $8.389632000e+06, v23;
	v20 =	vand.u32 $0x7FF, v20;
	v23 =	vld.idx.msk [tilespmem:v8+s22+$0x0], $0xffff  }
0x56: {  	vm8 =	vgt.f32 v16, v6;
	vm1 =	vgt.f32 v9, v7;
	v21 =	vld.idx.msk [tilespmem:v21+s2+$0x0], $0xffff;
	v29 =	vand.u32 $0x7FF, v2  }
0x57: {  	v22 =	vand.u32 $0x7FF, v22;
	v2 =	vand.u32 $0x1F, v5;
	v5 =	vsel vm7, $0x1, v0;
	v30 =	vld.idx.msk [tilespmem:v1+s2+$0x0], $0xffff  }
0x58: {  	v2 =	vadd.s32 v5, v2;
	v5 =	vsel vm8, $0x1, v0;
	v1 =	vand.u32 $0x1F, v6;
	v6 =	vld.idx.msk [tilespmem:v27+s2+$0x0], $0xffff  }
0x59: {  	v7 =	vand.u32 $0x1F, v7;
	v1 =	vadd.s32 v5, v1;
	v5 =	vld.idx.msk [tilespmem:v10+s2+$0x0], $0xffff;
	v26 =	vsub.f32 v3, v26  }
0x5a: {  	v31 =	vsel vm1, $0x1, v0;
	v3 =	vld.idx.msk [tilespmem:v20+s2+$0x0], $0xffff;
	v20 =	vsub.f32 v4, v28;
	v4 =	vshll.u32 v24, $0x10  }
0x5b: {  	v32 =	vld.idx.msk [tilespmem:v25+s20+$0x0], $0xffff;
	v10 =	vshll.u32 v23, $0x10;
	vm9 =	vgt.f32 v18, v21;
	v4 =	vmul.f32 v4, v26  }
0x5c: {  	v23 =	vand.u32 $0xFFFF0000, v23;
	v28 =	vld.idx.msk [tilespmem:v22+s2+$0x0], $0xffff;
	v22 =	vand.u32 $0xFFFF0000, v24;
	v10 =	vmul.f32 v10, v20  }
0x5d: {  	v36 =	vld.idx.msk [tilespmem:v25+s21+$0x0], $0xffff;
	v21 =	vand.u32 $0x1F, v21;
	v4 =	vadd.f32 v22, v4;
	v22 =	vsel vm9, $0x1, v0  }
0x5e: {  	v34 =	vld.idx.msk [tilespmem:v8+s20+$0x0], $0xffff;
	vm10 =	vgt.f32 v11, v30;
	v10 =	vadd.f32 v23, v10;
	vm11 =	vgt.f32 v13, v6  }
0x5f: {  	v27 =	vld.idx.msk [tilespmem:v29+s2+$0x0], $0xffff;
	v33 =	vsel vm10, $0x1, v0;
	vm12 =	vgt.f32 v12, v5;
	vm13 =	vgt.f32 v14, v3  }
0x60: {  	v38 =	vld.idx.msk [tilespmem:v8+s21+$0x0], $0xffff;
	v22 =	vadd.s32 v22, v21;
	v21 =	vand.u32 $0x1F, v30;
	v30 =	vand.u32 $0x1F, v6  }
0x61: {  	v24 =	vld.idx.msk [tilespmem:v2+s18+$0x0], $0xffff;
	v5 =	vand.u32 $0x1F, v5;
	v3 =	vand.u32 $0x1F, v3;
	v4 =	vmul.f32 v4, v26  }
0x62: {  	v42 =	vld.idx.msk [tilespmem:v2+s20+$0x0], $0xffff;
	v35 =	vsel vm11, $0x1, v0;
	v37 =	vsel vm12, $0x1, v0;
	v10 =	vmul.f32 v10, v20  }
0x63: {  	v29 =	vld.idx.msk [tilespmem:v1+s18+$0x0], $0xffff;
	v39 =	vsel vm13, $0x1, v0;
	v6 =	vadd.s32 v33, v21;
	v4 =	vadd.f32 $1.000000000e+00, v4  }
0x64: {  	v21 =	vld.idx.msk [tilespmem:v25+s19+$0x0], $0xffff;
	v25 =	vmul.f32 v32, v26;
	vm14 =	vgt.f32 v15, v27;
	v10 =	vadd.f32 $1.000000000e+00, v10  }
0x65: {  	v23 =	vld.idx.msk [tilespmem:v2+s22+$0x0], $0xffff;
	vm15 =	vgt.f32 v19, v28;
	v27 =	vand.u32 $0x1F, v27;
	(erf) = vrcp.f32 v4  }
0x66: {  	v44 =	vld.idx.msk [tilespmem:v2+s21+$0x0], $0xffff;
	v28 =	vand.u32 $0x1F, v28;
	(erf) = vrcp.f32 v10;
	v10 =	vadd.s32 v31, v7  }
0x67: {  	v40 =	vld.idx.msk [tilespmem:v1+s22+$0x0], $0xffff;
	v41 =	vsel vm15, $0x1, v0;
	v25 =	vadd.f32 v36, v25;
	v7 =	vadd.s32 v35, v30  }
0x68: {  	v31 =	vmul.f32 v34, v20;
	v30 =	vld.idx.msk [tilespmem:v8+s19+$0x0], $0xffff;
	v8 =	vadd.s32 v37, v5;
	v5 =	vadd.s32 v39, v3  }
0x69: {  	v24 =	vsub.f32 v17, v24;
	v4 =	vsel vm14, $0x1, v0;
	v53 =	vld.idx.msk [tilespmem:v22+s18+$0x0], $0xffff;
	v17 =	vmul.f32 v25, v26  }
0x6a: {  	v25 =	vsub.f32 v16, v29;
	v16 =	vshll.u32 v23, $0x10;
	v26 =	vld.idx.msk [tilespmem:v6+s18+$0x0], $0xffff;
	v31 =	vadd.f32 v38, v31  }
0x6b: {  	v4 =	vadd.s32 v4, v27;
	v3 =	vadd.s32 v41, v28;
	v16 =	vmul.f32 v16, v24;
	v27 =	vld.idx.msk [tilespmem:v10+s18+$0x0], $0xffff  }
0x6c: {  	v23 =	vand.u32 $0xFFFF0000, v23;
	v20 =	vmul.f32 v31, v20;
	v31 =	vld.idx.msk [tilespmem:v7+s18+$0x0], $0xffff  }
0x6d: {  	v16 =	vadd.f32 v23, v16;
	v23 =	vld.idx.msk [tilespmem:v5+s18+$0x0], $0xffff  }
0x6e: {  	v43 =	vld.idx.msk [tilespmem:v1+s20+$0x0], $0xffff  }
0x6f: {  	v52 =	vld.idx.msk [tilespmem:v1+s21+$0x0], $0xffff;
	v29 =	vshll.u32 v40, $0x10;
	v55 =	vand.u32 $0xFFFF0000, v40  }
0x70: {  	v56 =	vmul.f32 v42, v24;
	v61 =	vsub.f32 v18, v53;
	v60 =	vld.idx.msk [tilespmem:v3+s18+$0x0], $0xffff;
	v63 =	vsub.f32 v11, v26;
	v28 =	vpop (erf)  }
0x71: {  	v17 =	vmul.f32 v28, v17;
	v28 =	vmul.f32 v29, v25;
	v29 =	vld.idx.msk [tilespmem:v8+s18+$0x0], $0xffff;
	v54 =	vpop (erf);
	v62 =	vsub.f32 v9, v27  }
0x72: {  	v58 =	vld.idx.msk [tilespmem:v4+s18+$0x0], $0xffff;
	v20 =	vmul.f32 v54, v20;
	v13 =	vsub.f32 v13, v31;
	v27 =	vsub.f32 v14, v23  }
0x73: {  	v57 =	vmul.f32 v43, v25;
	v14 =	vld.idx.msk [tilespmem:v5+s22+$0x0], $0xffff;
	v28 =	vadd.f32 v55, v28;
	v17 =	vadd.f32 v17, v21  }
0x74: {  	v59 =	vmul.f32 v16, v24;
	v21 =	vadd.f32 v44, v56;
	v16 =	vadd.f32 v20, v30;
	v30 =	vld.idx.msk [tilespmem:v22+s22+$0x0], $0xffff  }
0x75: {  	v11 =	vld.idx.msk [tilespmem:v7+s22+$0x0], $0xffff;
	v26 =	vsub.f32 v19, v60;
	v20 =	vadd.f32 v52, v57;
	v28 =	vmul.f32 v28, v25  }
0x76: {  	v18 =	vmul.f32 v21, v24;
	v21 =	vadd.f32 $1.000000000e+00, v59;
	v24 =	vld.idx.msk [tilespmem:v10+s22+$0x0], $0xffff;
	v34 =	vsub.f32 v12, v29  }
0x77: {  	v9 =	vmul.f32 v20, v25;
	v12 =	vld.idx.msk [tilespmem:v8+s22+$0x0], $0xffff;
	v25 =	vsub.f32 v15, v58;
	v20 =	vadd.f32 $1.000000000e+00, v28  }
0x78: {  	s6 =	simm.s32 $0xC0;
	v28 =	vld.idx.msk [tilespmem:v6+s22+$0x0], $0xffff;
	(erf) = vrcp.f32 v21;
	v49 =	vshll.u32 v14, $0x10;
	v14 =	vand.u32 $0xFFFF0000, v14  }
0x79: {  	s10 =	sand.u32 $0x3FC0, s6;
	v37 =	vmul.f32 v49, v27;
	(erf) = vrcp.f32 v20;
	v15 =	vshll.u32 v30, $0x10  }
0x7a: {  	v36 =	vld [tilespmem:s10+$0xB00];
	v19 =	vand.u32 $0xFFFF0000, v30;
	v30 =	vshll.u32 v11, $0x10;
	v11 =	vand.u32 $0xFFFF0000, v11  }
0x7b: {  	v20 =	vld.idx.msk [tilespmem:v4+s22+$0x0], $0xffff;
	v15 =	vmul.f32 v15, v61;
	v21 =	vshll.u32 v24, $0x10;
	v23 =	vand.u32 $0xFFFF0000, v24  }
0x7c: {  	v50 =	vld.idx.msk [tilespmem:v6+s20+$0x0], $0xffff;
	v30 =	vmul.f32 v30, v13;
	v14 =	vadd.f32 v14, v37;
	v21 =	vmul.f32 v21, v62  }
0x7d: {  	v24 =	vld.idx.msk [tilespmem:v3+s22+$0x0], $0xffff;
	v47 =	vshll.u32 v12, $0x10;
	v12 =	vand.u32 $0xFFFF0000, v12;
	v29 =	vshll.u32 v28, $0x10  }
0x7e: {  	v48 =	vld.idx.msk [tilespmem:v10+s20+$0x0], $0xffff;
	v28 =	vand.u32 $0xFFFF0000, v28;
	v35 =	vmul.f32 v47, v34;
	v15 =	vadd.f32 v19, v15  }
0x7f: {  	v31 =	vld.idx.msk [tilespmem:v22+s20+$0x0], $0xffff;
	v11 =	vadd.f32 v11, v30;
	v14 =	vmul.f32 v14, v27;
	v29 =	vmul.f32 v29, v63  }
0x80: {  	v45 =	vld.idx.msk [tilespmem:v4+s21+$0x0], $0xffff;
	v19 =	vadd.f32 v23, v21;
	v51 =	vshll.u32 v20, $0x10;
	v20 =	vand.u32 $0xFFFF0000, v20  }
0x81: {  	v54 =	vld.idx.msk [tilespmem:v8+s20+$0x0], $0xffff;
	v15 =	vmul.f32 v15, v61;
	v12 =	vadd.f32 v12, v35;
	v11 =	vmul.f32 v11, v13  }
0x82: {  	v55 =	vld.idx.msk [tilespmem:v10+s21+$0x0], $0xffff;
	v14 =	vadd.f32 $1.000000000e+00, v14;
	v40 =	vmul.f32 v51, v25;
	v53 =	vand.u32 $0xFFFF0000, v24  }
0x83: {  	v56 =	vld.idx.msk [tilespmem:v6+s21+$0x0], $0xffff;
	v24 =	vshll.u32 v24, $0x10;
	v28 =	vadd.f32 v28, v29;
	v19 =	vmul.f32 v19, v62  }
0x84: {  	v52 =	vld.idx.msk [tilespmem:v7+s20+$0x0], $0xffff;
	v23 =	vmul.f32 v24, v26;
	v24 =	vmul.f32 v31, v61;
	v15 =	vadd.f32 $1.000000000e+00, v15  }
0x85: {  	v31 =	vld.idx.msk [tilespmem:v22+s21+$0x0], $0xffff;
	v11 =	vadd.f32 $1.000000000e+00, v11;
	v20 =	vadd.f32 v20, v40;
	v28 =	vmul.f32 v28, v63  }
0x86: {  	v57 =	vld.idx.msk [tilespmem:v7+s21+$0x0], $0xffff;
	v12 =	vmul.f32 v12, v34;
	v19 =	vadd.f32 $1.000000000e+00, v19;
	v23 =	vadd.f32 v53, v23  }
0x87: {  	v58 =	vld.idx.msk [tilespmem:v8+s21+$0x0], $0xffff;
	(erf) = vrcp.f32 v15;
	v28 =	vadd.f32 $1.000000000e+00, v28;
	v20 =	vmul.f32 v20, v25  }
0x88: {  	s7 =	simm.s32 $0xBA0;
	v21 =	vld.idx.msk [tilespmem:v5+s20+$0x0], $0xffff;
	v12 =	vadd.f32 $1.000000000e+00, v12;
	(erf) = vrcp.f32 v19;
	v19 =	vmul.f32 v48, v62  }
0x89: {  	v35 =	vld [tilespmem:s7+$0x50];
	v23 =	vmul.f32 v23, v26;
	v15 =	vadd.f32 $1.000000000e+00, v20;
	(erf) = vrcp.f32 v28  }
0x8a: {  	v29 =	vld.idx.msk [tilespmem:v4+s20+$0x0], $0xffff;
	v24 =	vadd.f32 v31, v24;
	v20 =	vmul.f32 v50, v63;
	v19 =	vadd.f32 v55, v19  }
0x8b: {  	v59 =	vld.idx.msk [tilespmem:v5+s21+$0x0], $0xffff;
	v31 =	vmul.f32 v54, v34;
	v23 =	vadd.f32 $1.000000000e+00, v23;
	(erf) = vrcp.f32 v11  }
0x8c: {  	v30 =	vld.idx.msk [tilespmem:v3+s20+$0x0], $0xffff;
	v11 =	vmul.f32 v52, v13;
	(erf) = vrcp.f32 v12;
	v12 =	vadd.f32 v56, v20  }
0x8d: {  	v28 =	vld.idx.msk [tilespmem:v3+s21+$0x0], $0xffff;
	v37 =	vadd.f32 v58, v31;
	v39 =	vmul.f32 v24, v61;
	v41 =	vmul.f32 v19, v62  }
0x8e: {  	v20 =	vld [tilespmem:s7+$0xFFFFFFB0];
	(erf) = vrcp.f32 v14;
	v14 =	vadd.f32 v57, v11;
	v11 =	vmul.f32 v21, v27  }
0x8f: {  	v19 =	vmax.f32 v35, $-5.500000000e+00;
	v21 =	vld [tilespmem:s7+$0xFFFFFFC0];
	(erf) = vrcp.f32 v15;
	v15 =	vmul.f32 v29, v25  }
0x90: {  	v42 =	vmul.f32 v12, v63;
	v12 =	vld [tilespmem:s7+$0xFFFFFFE0];
	(erf) = vrcp.f32 v23;
	v40 =	vadd.f32 v59, v11  }
0x91: {  	v23 =	vmul.f32 v30, v26;
	v11 =	vld [tilespmem:s7+$0xFFFFFFD0];
	v43 =	vmul.f32 v14, v13;
	v14 =	vmax.f32 v36, $-5.500000000e+00  }
0x92: {  	v13 =	vld [tilespmem:s7+$0xFFFFFFF0];
	v38 =	vadd.f32 v45, v15;
	v15 =	vmin.f32 v19, $5.500000000e+00;
	v24 =	vmin.f32 v14, $5.500000000e+00  }
0x93: {  	v19 =	vld [tilespmem:s7+$0x0];
	v15 =	vmul.f32 $1.860909120e+02, v15;
	v44 =	vadd.f32 v28, v23;
	v23 =	vmax.f32 v20, $-5.500000000e+00  }
0x94: {  	v14 =	vld [tilespmem:s7+$0x10];
	v24 =	vmul.f32 $1.860909120e+02, v24;
	v23 =	vmin.f32 v23, $5.500000000e+00;
	v38 =	vmul.f32 v38, v25  }
0x95: {  	v28 =	vadd.f32 $8.389632000e+06, v15;
	v29 =	vmul.f32 $1.860909120e+02, v23;
	v15 =	vmax.f32 v21, $-5.500000000e+00  }
0x96: {  	v47 =	vld.idx.msk [tilespmem:v2+s19+$0x0], $0xffff;
	v60 =	vadd.f32 $8.389632000e+06, v24;
	v61 =	vmax.f32 v12, $-5.500000000e+00;
	v30 =	vmax.f32 v11, $-5.500000000e+00  }
0x97: {  	v23 =	vld [tilespmem:s7+$0x30];
	v31 =	vmin.f32 v15, $5.500000000e+00;
	v62 =	vmax.f32 v13, $-5.500000000e+00;
	v33 =	vmin.f32 v61, $5.500000000e+00  }
0x98: {  	v24 =	vld [tilespmem:s7+$0xFFFFFFA0];
	v28 =	vand.u32 $0x7FF, v28;
	v30 =	vmin.f32 v30, $5.500000000e+00;
	v46 =	vmax.f32 v19, $-5.500000000e+00  }
0x99: {  	v15 =	vld [tilespmem:s7+$0x40];
	v32 =	vand.u32 $0x7FF, v60;
	v2 =	vmin.f32 v62, $5.500000000e+00;
	v54 =	vmax.f32 v14, $-5.500000000e+00  }
0x9a: {  	v48 =	vld.idx.msk [tilespmem:v22+s19+$0x0], $0xffff;
	v22 =	vmul.f32 $1.860909120e+02, v31;
	v52 =	vmul.f32 $1.860909120e+02, v33;
	v63 =	vmin.f32 v46, $5.500000000e+00  }
0x9b: {  	v51 =	vld.idx.msk [tilespmem:v1+s19+$0x0], $0xffff;
	v31 =	vmin.f32 v54, $5.500000000e+00;
	v49 =	vmul.f32 $1.860909120e+02, v30;
	v2 =	vmul.f32 $1.860909120e+02, v2  }
0x9c: {  	v33 =	vld.idx.msk [tilespmem:v4+s19+$0x0], $0xffff;
	v45 =	vmul.f32 $1.860909120e+02, v63;
	v53 =	vmul.f32 $1.860909120e+02, v31;
	v4 =	vadd.f32 $8.389632000e+06, v52  }
0x9d: {  	v62 =	vpop (erf);
	v55 =	vmax.f32 v23, $-5.500000000e+00;
	v1 =	vmax.f32 v24, $-5.500000000e+00;
	v2 =	vadd.f32 $8.389632000e+06, v2;
	v50 =	vld.idx.msk [tilespmem:v28+s2+$0x0], $0xffff  }
0x9e: {  	v18 =	vmul.f32 v62, v18;
	v30 =	vmin.f32 v55, $5.500000000e+00;
	v56 =	vmax.f32 v15, $-5.500000000e+00;
	v58 =	vld.idx.msk [tilespmem:v32+s2+$0x0], $0xffff  }
0x9f: {  	v1 =	vmin.f32 v1, $5.500000000e+00;
	v4 =	vand.u32 $0x7FF, v4;
	v28 =	vld.idx.msk [tilespmem:v10+s19+$0x0], $0xffff;
	v10 =	vadd.f32 $8.389632000e+06, v29  }
0xa0: {  	v60 =	vadd.f32 $8.389632000e+06, v53;
	v1 =	vmul.f32 $1.860909120e+02, v1;
	v29 =	vld.idx.msk [tilespmem:v6+s19+$0x0], $0xffff;
	v6 =	vadd.f32 $8.389632000e+06, v22  }
0xa1: {  	v22 =	vmul.f32 $1.860909120e+02, v30;
	v32 =	vld.idx.msk [tilespmem:v5+s19+$0x0], $0xffff;
	v5 =	vadd.f32 $8.389632000e+06, v49;
	v10 =	vand.u32 $0x7FF, v10  }
0xa2: {  	v57 =	vmin.f32 v56, $5.500000000e+00;
	v30 =	vld.idx.msk [tilespmem:v7+s19+$0x0], $0xffff;
	v7 =	vadd.f32 $8.389632000e+06, v1;
	v6 =	vand.u32 $0x7FF, v6  }
0xa3: {  	v31 =	vld.idx.msk [tilespmem:v8+s19+$0x0], $0xffff;
	v22 =	vadd.f32 $8.389632000e+06, v22;
	v5 =	vand.u32 $0x7FF, v5;
	vm4 =	vgt.f32 v35, v50  }
0xa4: {  	v55 =	vand.u32 $0x7FF, v60;
	v4 =	vld.idx.msk [tilespmem:v4+s2+$0x0], $0xffff;
	v1 =	vand.u32 $0x1F, v50;
	v8 =	vsel vm4, $0x1, v0  }
0xa5: {  	v54 =	vmul.f32 $1.860909120e+02, v57;
	v7 =	vand.u32 $0x7FF, v7;
	v49 =	vadd.s32 v8, v1;
	v1 =	vld.idx.msk [tilespmem:v3+s19+$0x0], $0xffff  }
0xa6: {  	v63 =	vpop (erf);
	v52 =	vand.u32 $0x7FF, v2;
	v2 =	vmul.f32 v44, v26;
	vm5 =	vgt.f32 v36, v58;
	v10 =	vld.idx.msk [tilespmem:v10+s2+$0x0], $0xffff  }
0xa7: {  	v61 =	vadd.f32 $8.389632000e+06, v54;
	v56 =	vand.u32 $0x7FF, v22;
	v59 =	vsel vm5, $0x1, v0;
	v22 =	vpop (erf);
	v6 =	vld.idx.msk [tilespmem:v6+s2+$0x0], $0xffff  }
0xa8: {  	v8 =	vand.u32 $0x1F, v58;
	v3 =	vadd.f32 $8.389632000e+06, v45;
	v26 =	vmul.f32 v22, v39;
	v5 =	vld.idx.msk [tilespmem:v5+s2+$0x0], $0xffff  }
0xa9: {  	v45 =	vadd.s32 v59, v8;
	v8 =	vmul.f32 v37, v34;
	v34 =	vadd.f32 v18, v47;
	v18 =	vld.idx.msk [tilespmem:v55+s2+$0x0], $0xffff  }
0xaa: {  	v9 =	vmul.f32 v63, v9;
	v46 =	vand.u32 $0x7FF, v61;
	v37 =	vmul.f32 v40, v27;
	v7 =	vld.idx.msk [tilespmem:v7+s2+$0x0], $0xffff  }
0xab: {  	v3 =	vand.u32 $0x7FF, v3;
	v59 =	vpop (erf);
	v26 =	vadd.f32 v26, v48;
	vm10 =	vgt.f32 v12, v4;
	v53 =	vld.idx.msk [tilespmem:v49+s22+$0x0], $0xffff  }
0xac: {  	v4 =	vand.u32 $0x1F, v4;
	v41 =	vmul.f32 v59, v41;
	v50 =	vsel vm10, $0x1, v0;
	v27 =	vld.idx.msk [tilespmem:v49+s18+$0x0], $0xffff  }
0xad: {  	v22 =	vand.u32 $0x1F, v10;
	vm6 =	vgt.f32 v20, v10;
	vm7 =	vgt.f32 v21, v6;
	v57 =	vld.idx.msk [tilespmem:v49+s21+$0x0], $0xffff  }
0xae: {  	v6 =	vand.u32 $0x1F, v6;
	vm9 =	vgt.f32 v11, v5;
	v5 =	vand.u32 $0x1F, v5;
	v25 =	vld.idx.msk [tilespmem:v45+s18+$0x0], $0xffff  }
0xaf: {  	v10 =	vpop (erf);
	v28 =	vadd.f32 v41, v28;
	v58 =	vld.idx.msk [tilespmem:v45+s22+$0x0], $0xffff;
	v60 =	vsel vm6, $0x1, v0;
	v61 =	vsel vm7, $0x1, v0  }
0xb0: {  	v62 =	vpop (erf);
	v42 =	vmul.f32 v10, v42;
	v10 =	vld.idx.msk [tilespmem:v52+s2+$0x0], $0xffff;
	v47 =	vsel vm9, $0x1, v0;
	vm13 =	vgt.f32 v14, v18  }
0xb1: {  	v52 =	vld.idx.msk [tilespmem:v49+s20+$0x0], $0xffff;
	v54 =	vadd.s32 v60, v22;
	v22 =	vadd.s32 v61, v6;
	v6 =	vpop (erf);
	v35 =	vsub.f32 v35, v27  }
0xb2: {  	v55 =	vld.idx.msk [tilespmem:v45+s20+$0x0], $0xffff;
	v40 =	vmul.f32 v62, v43;
	v39 =	vmul.f32 v6, v8;
	v6 =	vshll.u32 v53, $0x10  }
0xb3: {  	v3 =	vld.idx.msk [tilespmem:v3+s2+$0x0], $0xffff;
	vm8 =	vgt.f32 v24, v7;
	v29 =	vadd.f32 v42, v29;
	v6 =	vmul.f32 v6, v35  }
0xb4: {  	v43 =	vld.idx.msk [tilespmem:v46+s2+$0x0], $0xffff;
	v40 =	vadd.f32 v40, v30;
	v36 =	vsub.f32 v36, v25;
	v25 =	vand.u32 $0xFFFF0000, v53  }
0xb5: {  	v49 =	vld.idx.msk [tilespmem:v49+s19+$0x0], $0xffff;
	v27 =	vadd.f32 v9, v51;
	v8 =	vshll.u32 v58, $0x10;
	v6 =	vadd.f32 v25, v6  }
0xb6: {  	v9 =	vld.idx.msk [tilespmem:v56+s2+$0x0], $0xffff;
	v56 =	vsel vm13, $0x1, v0;
	v44 =	vand.u32 $0xFFFF0000, v58;
	v8 =	vmul.f32 v8, v36  }
0xb7: {  	vm11 =	vgt.f32 v13, v10;
	v58 =	vld.idx.msk [tilespmem:v45+s21+$0x0], $0xffff;
	v39 =	vadd.f32 v39, v31;
	v6 =	vmul.f32 v6, v35  }
0xb8: {  	v45 =	vld.idx.msk [tilespmem:v45+s19+$0x0], $0xffff;
	vm12 =	vgt.f32 v19, v3;
	v51 =	vsel vm11, $0x1, v0;
	v8 =	vadd.f32 v44, v8  }
0xb9: {  	vm15 =	vgt.f32 v15, v43;
	v3 =	vand.u32 $0x1F, v3;
	v44 =	vld.idx.msk [tilespmem:v22+s18+$0x0], $0xffff;
	v6 =	vadd.f32 $1.000000000e+00, v6  }
0xba: {  	v46 =	vld.idx.msk [tilespmem:v54+s18+$0x0], $0xffff;
	v43 =	vand.u32 $0x1F, v43;
	v53 =	vsel vm12, $0x1, v0;
	v8 =	vmul.f32 v8, v36  }
0xbb: {  	v48 =	vld.idx.msk [tilespmem:v54+s22+$0x0], $0xffff;
	v25 =	vsel vm8, $0x1, v0;
	(erf) = vrcp.f32 v6;
	v6 =	vand.u32 $0x1F, v7  }
0xbc: {  	v60 =	vld.idx.msk [tilespmem:v22+s22+$0x0], $0xffff;
	vm14 =	vgt.f32 v23, v9;
	v8 =	vadd.f32 $1.000000000e+00, v8;
	v25 =	vadd.s32 v25, v6  }
0xbd: {  	v61 =	vld.idx.msk [tilespmem:v54+s20+$0x0], $0xffff;
	v59 =	vsel vm14, $0x1, v0;
	v6 =	vand.u32 $0x1F, v10;
	v10 =	vadd.s32 v47, v5  }
0xbe: {  	v44 =	vsub.f32 v21, v44;
	(erf) = vrcp.f32 v8;
	v47 =	vld.idx.msk [tilespmem:v22+s20+$0x0], $0xffff;
	v8 =	vadd.s32 v50, v4  }
0xbf: {  	v5 =	vmul.f32 v52, v35;
	v4 =	vsel vm15, $0x1, v0;
	v50 =	vld.idx.msk [tilespmem:v54+s21+$0x0], $0xffff;
	v7 =	vadd.s32 v51, v6  }
0xc0: {  	v52 =	vpop (erf);
	v6 =	vand.u32 $0x1F, v18;
	v18 =	vmul.f32 v55, v36;
	v55 =	vld.idx.msk [tilespmem:v22+s21+$0x0], $0xffff;
	v4 =	vadd.s32 v4, v43  }
0xc1: {  	v63 =	vadd.f32 v57, v5;
	v5 =	vand.u32 $0x1F, v9;
	v9 =	vadd.s32 v53, v3;
	v53 =	vpop (erf);
	v21 =	vld.idx.msk [tilespmem:v25+s18+$0x0], $0xffff  }
0xc2: {  	v43 =	vsub.f32 v20, v46;
	v6 =	vadd.s32 v56, v6;
	v18 =	vadd.f32 v58, v18;
	v56 =	vpop (erf);
	v51 =	vld.idx.msk [tilespmem:v10+s18+$0x0], $0xffff  }
0xc3: {  	v37 =	vmul.f32 v52, v37;
	v57 =	vshll.u32 v48, $0x10;
	v2 =	vmul.f32 v56, v2;
	v46 =	vld.idx.msk [tilespmem:v8+s18+$0x0], $0xffff  }
0xc4: {  	v48 =	vand.u32 $0xFFFF0000, v48;
	v18 =	vmul.f32 v18, v36;
	v36 =	vmul.f32 v57, v43;
	v56 =	vld.idx.msk [tilespmem:v10+s22+$0x0], $0xffff  }
0xc5: {  	v5 =	vadd.s32 v59, v5;
	v35 =	vmul.f32 v63, v35;
	v63 =	vmul.f32 v61, v43;
	v61 =	vld.idx.msk [tilespmem:v4+s18+$0x0], $0xffff  }
0xc6: {  	v58 =	vshll.u32 v60, $0x10;
	v38 =	vmul.f32 v53, v38;
	v57 =	vld.idx.msk [tilespmem:v8+s22+$0x0], $0xffff;
	v36 =	vadd.f32 v48, v36;
	v20 =	vpop (erf)  }
0xc7: {  	v62 =	vand.u32 $0xFFFF0000, v60;
	v30 =	vld.idx.msk [tilespmem:v9+s22+$0x0], $0xffff;
	v20 =	vmul.f32 v20, v35;
	v35 =	vmul.f32 v58, v44  }
0xc8: {  	v37 =	vadd.f32 v37, v32;
	v42 =	vld.idx.msk [tilespmem:v8+s20+$0x0], $0xffff;
	v50 =	vadd.f32 v50, v63;
	v59 =	vpop (erf);
	v36 =	vmul.f32 v36, v43  }
0xc9: {  	v48 =	vld.idx.msk [tilespmem:v7+s18+$0x0], $0xffff;
	v18 =	vmul.f32 v59, v18;
	v49 =	vadd.f32 v20, v49;
	v35 =	vadd.f32 v62, v35  }
0xca: {  	v58 =	vld.idx.msk [tilespmem:v9+s18+$0x0], $0xffff;
	v20 =	vmul.f32 v47, v44;
	v36 =	vadd.f32 $1.000000000e+00, v36;
	v15 =	vsub.f32 v15, v61  }
0xcb: {  	v60 =	vld.idx.msk [tilespmem:v5+s18+$0x0], $0xffff;
	v41 =	vshll.u32 v57, $0x10;
	v45 =	vadd.f32 v18, v45;
	v18 =	vsub.f32 v24, v21  }
0xcc: {  	[tilespmem:s4+$0x8B00] =	vst v16;
	v59 =	vld.idx.msk [tilespmem:v6+s18+$0x0], $0xffff;
	v24 =	vsub.f32 v12, v46;
	v16 =	vshll.u32 v30, $0x10;
	v55 =	vadd.f32 v55, v20  }
0xcd: {  	v62 =	vld.idx.msk [tilespmem:v25+s22+$0x0], $0xffff;
	v21 =	vmul.f32 v35, v44;
	v20 =	vsub.f32 v11, v51;
	v11 =	vmul.f32 v50, v43  }
0xce: {  	v3 =	vld.idx.msk [tilespmem:v54+s19+$0x0], $0xffff;
	(erf) = vrcp.f32 v36;
	v43 =	vadd.f32 v38, v33;
	v33 =	vand.u32 $0xFFFF0000, v56  }
0xcf: {  	s7 =	simm.s32 $0x8AE0;
	v61 =	vld.idx.msk [tilespmem:v4+s22+$0x0], $0xffff;
	v19 =	vsub.f32 v19, v58;
	v41 =	vmul.f32 v41, v24;
	v42 =	vmul.f32 v42, v24  }
0xd0: {  	[tilespmem:s7+$0xFFFFFFA0] =	vst v26;
	v26 =	vld.idx.msk [tilespmem:v7+s20+$0x0], $0xffff;
	v63 =	vadd.f32 $1.000000000e+00, v21;
	v21 =	vsub.f32 v13, v48;
	v12 =	vmul.f32 v55, v44  }
0xd1: {  	v35 =	vld.idx.msk [tilespmem:v5+s22+$0x0], $0xffff;
	v13 =	vsub.f32 v14, v59;
	v14 =	vsub.f32 v23, v60;
	v60 =	vshll.u32 v56, $0x10  }
0xd2: {  	v58 =	vld.idx.msk [tilespmem:v7+s22+$0x0], $0xffff;
	v56 =	vand.u32 $0xFFFF0000, v30;
	v31 =	vand.u32 $0xFFFF0000, v62;
	v59 =	vshll.u32 v62, $0x10  }
0xd3: {  	v23 =	vld.idx.msk [tilespmem:v6+s22+$0x0], $0xffff;
	v36 =	vmul.f32 v60, v20;
	v62 =	vand.u32 $0xFFFF0000, v57;
	v30 =	vmul.f32 v16, v19  }
0xd4: {  	[tilespmem:s7+$0x10] =	vst v37;
	v44 =	vld.idx.msk [tilespmem:v25+s20+$0x0], $0xffff;
	v60 =	vand.u32 $0xFFFF0000, v61;
	v38 =	vshll.u32 v61, $0x10;
	(erf) = vrcp.f32 v63  }
0xd5: {  	v37 =	vld.idx.msk [tilespmem:v22+s19+$0x0], $0xffff;
	v32 =	vmul.f32 v59, v18;
	v61 =	vmul.f32 v38, v15;
	v62 =	vadd.f32 v62, v41  }
0xd6: {  	v47 =	vld.idx.msk [tilespmem:v10+s20+$0x0], $0xffff;
	v26 =	vmul.f32 v26, v21;
	v59 =	vand.u32 $0xFFFF0000, v35;
	v33 =	vadd.f32 v33, v36  }
0xd7: {  	[tilespmem:s7+$0x50] =	vst v17;
	v46 =	vld.idx.msk [tilespmem:v25+s21+$0x0], $0xffff;
	v54 =	vadd.f32 v56, v30;
	v48 =	vand.u32 $0xFFFF0000, v58;
	v17 =	vshll.u32 v58, $0x10  }
0xd8: {  	[tilespmem:s7+$0xFFFFFFB0] =	vst v34;
	v55 =	vld.idx.msk [tilespmem:v10+s21+$0x0], $0xffff;
	v32 =	vadd.f32 v31, v32;
	v63 =	vmul.f32 v17, v21;
	v57 =	vand.u32 $0xFFFF0000, v23  }
0xd9: {  	[tilespmem:s7+$0xFFFFFFC0] =	vst v27;
	v38 =	vld.idx.msk [tilespmem:v25+s19+$0x0], $0xffff;
	v16 =	vshll.u32 v23, $0x10;
	v23 =	vshll.u32 v35, $0x10;
	v44 =	vmul.f32 v44, v18  }
0xda: {  	v31 =	vld.idx.msk [tilespmem:v4+s20+$0x0], $0xffff;
	v30 =	vmul.f32 v33, v20;
	v35 =	vadd.f32 v60, v61;
	v58 =	vmul.f32 v16, v13  }
0xdb: {  	v17 =	vld.idx.msk [tilespmem:v9+s20+$0x0], $0xffff;
	v27 =	vmul.f32 v23, v14;
	v32 =	vmul.f32 v32, v18;
	v63 =	vadd.f32 v48, v63  }
0xdc: {  	v60 =	vmul.f32 v54, v19;
	v16 =	vld.idx.msk [tilespmem:v6+s20+$0x0], $0xffff;
	v34 =	vadd.f32 v57, v58;
	v57 =	vmul.f32 v62, v24  }
0xdd: {  	[tilespmem:s7+$0xFFFFFFD0] =	vst v28;
	v23 =	vld.idx.msk [tilespmem:v5+s20+$0x0], $0xffff;
	v56 =	vadd.f32 v59, v27;
	v32 =	vadd.f32 $1.000000000e+00, v32;
	v58 =	vmul.f32 v63, v21  }
0xde: {  	[tilespmem:s7+$0xFFFFFFE0] =	vst v29;
	v27 =	vld.idx.msk [tilespmem:v8+s21+$0x0], $0xffff;
	v59 =	vadd.f32 $1.000000000e+00, v30;
	v62 =	vmul.f32 v35, v15;
	v28 =	vadd.f32 $1.000000000e+00, v57  }
0xdf: {  	[tilespmem:s7+$0xFFFFFFF0] =	vst v40;
	v30 =	vld.idx.msk [tilespmem:v7+s21+$0x0], $0xffff;
	v63 =	vmul.f32 v47, v20;
	(erf) = vrcp.f32 v32;
	v29 =	vadd.f32 $1.000000000e+00, v58  }
0xe0: {  	[tilespmem:s10+$0x8B00] =	vst v45;
	v45 =	vadd.f32 $1.000000000e+00, v60;
	v35 =	vld.idx.msk [tilespmem:v6+s21+$0x0], $0xffff;
	v61 =	vmul.f32 v34, v13;
	(erf) = vrcp.f32 v59  }
0xe1: {  	s4 =	simm.s32 $0x8BA0;
	[tilespmem:s7+$0x0] =	vst v39;
	v25 =	vadd.f32 v46, v44;
	v34 =	vld.idx.msk [tilespmem:v9+s21+$0x0], $0xffff;
	v33 =	vmul.f32 v56, v14;
	(erf) = vrcp.f32 v28  }
0xe2: {  	s24 =	sshll.u32 s9, $0xF;
	[tilespmem:s4+$0x50] =	vst v49;
	v32 =	vld.idx.msk [tilespmem:v5+s21+$0x0], $0xffff;
	v41 =	vadd.f32 $1.000000000e+00, v62;
	v40 =	vadd.f32 $1.000000000e+00, v61;
	v28 =	vpop (erf);
	(erf) = vrcp.f32 v29  }
0xe3: {  	s12 =	simm.s32 $0xC;
	s13 =	simm.s32 $0xC60;
	s10 =	sor.u32 s8, s24;
	[tilespmem:s7+$0x30] =	vst v43;
	v22 =	vadd.f32 v55, v63;
	v36 =	vadd.f32 $1.000000000e+00, v33;
	v33 =	vld.idx.msk [tilespmem:v4+s21+$0x0], $0xffff;
	v29 =	vpop (erf);
	(erf) = vrcp.f32 v45  }
.LBB2_3:
0xe4: {  	v39 =	vld [tilespmem:s13+$0x50];
	v42 =	vadd.f32 v27, v42;
	v17 =	vmul.f32 v17, v19;
	s6 =	sadd.s32 $0xC0, s6;
	(erf) = vrcp.f32 v40  }
0xe5: {  	s12 =	sadd.s32 $0xC, s12;
	v16 =	vmul.f32 v16, v13;
	v27 =	vld [tilespmem:s13+$0xFFFFFFB0];
	s16 =	sand.u32 $0x3FC0, s6;
	v43 =	vadd.f32 v30, v26;
	(erf) = vrcp.f32 v36  }
0xe6: {  	p1 =	slt.u32 s12, $0x3F0;
	v40 =	vld [tilespmem:s16+$0xB00];
	v34 =	vadd.f32 v34, v17;
	v17 =	vmul.f32 v23, v14;
	(erf) = vrcp.f32 v41  }
0xe7: {  	v44 =	vmul.f32 v25, v18;
	v18 =	vmul.f32 v31, v15;
	v48 =	vadd.f32 v35, v16;
	v30 =	vld [tilespmem:s13+$0xFFFFFFC0]  }
0xe8: {  	v26 =	vmul.f32 v22, v20;
	v20 =	vmul.f32 v42, v24;
	v16 =	vld [tilespmem:s13+$0xFFFFFFD0];
	v49 =	vadd.f32 v32, v17;
	v47 =	vpop (erf)  }
0xe9: {  	v50 =	vadd.f32 v33, v18;
	v24 =	vmul.f32 v43, v21;
	v17 =	vld [tilespmem:s13+$0xFFFFFFE0];
	v22 =	vmax.f32 v39, $-5.500000000e+00;
	v41 =	vpop (erf)  }
0xea: {  	v42 =	vmul.f32 v34, v19;
	v18 =	vmax.f32 v27, $-5.500000000e+00;
	v21 =	vld [tilespmem:s13+$0xFFFFFFF0];
	v22 =	vmin.f32 v22, $5.500000000e+00;
	v43 =	vpop (erf)  }
0xeb: {  	v18 =	vmin.f32 v18, $5.500000000e+00;
	v19 =	vld [tilespmem:s13+$0x0];
	v23 =	vmax.f32 v40, $-5.500000000e+00;
	v25 =	vmul.f32 $1.860909120e+02, v22;
	v45 =	vpop (erf)  }
0xec: {  	v36 =	vmul.f32 $1.860909120e+02, v18;
	v18 =	vmax.f32 v30, $-5.500000000e+00;
	v22 =	vld [tilespmem:s13+$0x10];
	v23 =	vmin.f32 v23, $5.500000000e+00;
	v46 =	vpop (erf)  }
0xed: {  	v31 =	vmax.f32 v16, $-5.500000000e+00;
	v32 =	vmul.f32 $1.860909120e+02, v23;
	v23 =	vld [tilespmem:s13+$0x30];
	v33 =	vadd.f32 $8.389632000e+06, v25;
	v51 =	vpop (erf)  }
0xee: {  	v34 =	vmin.f32 v18, $5.500000000e+00;
	v35 =	vmin.f32 v31, $5.500000000e+00;
	v31 =	vmax.f32 v17, $-5.500000000e+00;
	v25 =	vld [tilespmem:s13+$0x40];
	v52 =	vpop (erf)  }
0xef: {  	v18 =	vld [tilespmem:s13+$0xFFFFFFA0];
	v53 =	vmax.f32 v21, $-5.500000000e+00;
	v32 =	vadd.f32 $8.389632000e+06, v32;
	v54 =	vand.u32 $0x7FF, v33;
	v55 =	vpop (erf)  }
0xf0: {  	v56 =	vmin.f32 v31, $5.500000000e+00;
	v53 =	vmin.f32 v53, $5.500000000e+00;
	v33 =	vmax.f32 v19, $-5.500000000e+00;
	v31 =	vld.idx.msk [tilespmem:v10+s19+$0x0], $0xffff  }
0xf1: {  	v10 =	vmin.f32 v33, $5.500000000e+00;
	v33 =	vmax.f32 v22, $-5.500000000e+00;
	v57 =	vand.u32 $0x7FF, v32;
	v32 =	vld.idx.msk [tilespmem:v8+s19+$0x0], $0xffff  }
0xf2: {  	v8 =	vmul.f32 $1.860909120e+02, v34;
	v58 =	vmin.f32 v33, $5.500000000e+00;
	v34 =	vmax.f32 v23, $-5.500000000e+00;
	v33 =	vld.idx.msk [tilespmem:v7+s19+$0x0], $0xffff  }
0xf3: {  	v7 =	vmul.f32 $1.860909120e+02, v35;
	v59 =	vmin.f32 v34, $5.500000000e+00;
	v35 =	vmax.f32 v25, $-5.500000000e+00;
	v34 =	vld.idx.msk [tilespmem:v9+s19+$0x0], $0xffff  }
0xf4: {  	v56 =	vmul.f32 $1.860909120e+02, v56;
	v9 =	vmax.f32 v18, $-5.500000000e+00;
	v60 =	vmin.f32 v35, $5.500000000e+00;
	v54 =	vld.idx.msk [tilespmem:v54+s2+$0x0], $0xffff  }
0xf5: {  	v53 =	vmul.f32 $1.860909120e+02, v53;
	v10 =	vmul.f32 $1.860909120e+02, v10;
	v9 =	vmin.f32 v9, $5.500000000e+00;
	v35 =	vld.idx.msk [tilespmem:v6+s19+$0x0], $0xffff  }
0xf6: {  	v58 =	vmul.f32 $1.860909120e+02, v58;
	v6 =	vmul.f32 $1.860909120e+02, v9;
	v9 =	vadd.f32 $8.389632000e+06, v36;
	v57 =	vld.idx.msk [tilespmem:v57+s2+$0x0], $0xffff  }
0xf7: {  	v8 =	vadd.f32 $8.389632000e+06, v8;
	v59 =	vmul.f32 $1.860909120e+02, v59;
	v60 =	vmul.f32 $1.860909120e+02, v60;
	v36 =	vld.idx.msk [tilespmem:v5+s19+$0x0], $0xffff  }
0xf8: {  	v7 =	vadd.f32 $8.389632000e+06, v7;
	v5 =	vadd.f32 $8.389632000e+06, v6;
	v6 =	vand.u32 $0x7FF, v9;
	v9 =	vld.idx.msk [tilespmem:v4+s19+$0x0], $0xffff  }
0xf9: {  	v56 =	vadd.f32 $8.389632000e+06, v56;
	v53 =	vadd.f32 $8.389632000e+06, v53;
	v8 =	vand.u32 $0x7FF, v8  }
0xfa: {  	v10 =	vadd.f32 $8.389632000e+06, v10;
	v58 =	vadd.f32 $8.389632000e+06, v58;
	vm0 =	vgt.f32 v39, v54  }
0xfb: {  	v59 =	vadd.f32 $8.389632000e+06, v59;
	v4 =	vand.u32 $0x1F, v54;
	v54 =	vsel vm0, $0x1, v0  }
0xfc: {  	v60 =	vadd.f32 $8.389632000e+06, v60;
	vm0 =	vgt.f32 v40, v57;
	v4 =	vadd.s32 v54, v4  }
0xfd: {  	v54 =	vand.u32 $0x7FF, v5;
	v5 =	vand.u32 $0x1F, v57;
	v57 =	vsel vm0, $0x1, v0;
	v6 =	vld.idx.msk [tilespmem:v6+s2+$0x0], $0xffff  }
0xfe: {  	v56 =	vand.u32 $0x7FF, v56;
	v7 =	vand.u32 $0x7FF, v7;
	v5 =	vadd.s32 v57, v5;
	v8 =	vld.idx.msk [tilespmem:v8+s2+$0x0], $0xffff  }
0xff: {  	v53 =	vand.u32 $0x7FF, v53;
	v10 =	vand.u32 $0x7FF, v10;
	v57 =	vand.u32 $0x7FF, v58  }
0x100: {  	v48 =	vmul.f32 v48, v13;
	v58 =	vand.u32 $0x7FF, v59;
	v59 =	vand.u32 $0x7FF, v60  }
0x101: {  	v2 =	vadd.f32 v2, v1;
	v50 =	vmul.f32 v50, v15;
	v49 =	vmul.f32 v49, v14;
	v60 =	vld.idx.msk [tilespmem:v4+s22+$0x0], $0xffff  }
0x102: {  	v11 =	vmul.f32 v28, v11;
	v15 =	vmul.f32 v47, v44;
	v1 =	vmov v9;
	v61 =	vld.idx.msk [tilespmem:v4+s18+$0x0], $0xffff  }
0x103: {  	v12 =	vmul.f32 v29, v12;
	v9 =	vand.u32 $0x1F, v6;
	vm0 =	vgt.f32 v27, v6;
	v6 =	vld.idx.msk [tilespmem:v5+s18+$0x0], $0xffff;
	[tilespmem:s7+$0x40] =	vst v2;
	s7 =	smov.u32 s4  }
0x104: {  	v2 =	vsel vm0, $0x1, v0;
	v13 =	vand.u32 $0x1F, v8;
	vm0 =	vgt.f32 v30, v8;
	v8 =	vld.idx.msk [tilespmem:v5+s22+$0x0], $0xffff  }
0x105: {  	v41 =	vmul.f32 v41, v26;
	v47 =	vadd.s32 v2, v9;
	v2 =	vsel vm0, $0x1, v0;
	v44 =	vld.idx.msk [tilespmem:v54+s2+$0x0], $0xffff  }
0x106: {  	v14 =	vmul.f32 v45, v24;
	v26 =	vadd.s32 v2, v13;
	v13 =	vmul.f32 v43, v20;
	v7 =	vld.idx.msk [tilespmem:v7+s2+$0x0], $0xffff  }
0x107: {  	v29 =	vmul.f32 v51, v48;
	v20 =	vadd.f32 v15, v38;
	v15 =	vmul.f32 v46, v42;
	v9 =	vld.idx.msk [tilespmem:v56+s2+$0x0], $0xffff  }
0x108: {  	v28 =	vmul.f32 v52, v49;
	v2 =	vmul.f32 v55, v50;
	v38 =	vsub.f32 v39, v61;
	v24 =	vld.idx.msk [tilespmem:v53+s2+$0x0], $0xffff  }
0x109: {  	v3 =	vadd.f32 v11, v3;
	v39 =	vsub.f32 v40, v6;
	v6 =	vshll.u32 v60, $0x10;
	v10 =	vld.idx.msk [tilespmem:v10+s2+$0x0], $0xffff;
	[tilespmem:s4+$0xFFFFFFA0] =	vst v20  }
0x10a: {  	v12 =	vadd.f32 v12, v37;
	v20 =	vshll.u32 v8, $0x10;
	v6 =	vmul.f32 v6, v38;
	v11 =	vld.idx.msk [tilespmem:v57+s2+$0x0], $0xffff  }
0x10b: {  	v40 =	vand.u32 $0xFFFF0000, v60;
	vm0 =	vgt.f32 v18, v44;
	v20 =	vmul.f32 v20, v39;
	v37 =	vld.idx.msk [tilespmem:v58+s2+$0x0], $0xffff;
	[tilespmem:s4+$0xFFFFFFB0] =	vst v3  }
0x10c: {  	vm1 =	vgt.f32 v16, v7;
	v3 =	vand.u32 $0xFFFF0000, v8;
	v6 =	vadd.f32 v40, v6;
	v8 =	vld.idx.msk [tilespmem:v59+s2+$0x0], $0xffff;
	[tilespmem:s4+$0xFFFFFFC0] =	vst v12  }
0x10d: {  	v12 =	vsel vm0, $0x1, v0;
	vm0 =	vgt.f32 v17, v9;
	v3 =	vadd.f32 v3, v20;
	v40 =	vld.idx.msk [tilespmem:v47+s18+$0x0], $0xffff  }
0x10e: {  	v42 =	vsel vm1, $0x1, v0;
	vm1 =	vgt.f32 v21, v24;
	v6 =	vmul.f32 v6, v38;
	v20 =	vld.idx.msk [tilespmem:v26+s18+$0x0], $0xffff  }
0x10f: {  	v45 =	vsel vm0, $0x1, v0;
	vm0 =	vgt.f32 v19, v10;
	v3 =	vmul.f32 v3, v39;
	v43 =	vld.idx.msk [tilespmem:v47+s22+$0x0], $0xffff  }
0x110: {  	v46 =	vsel vm1, $0x1, v0;
	vm1 =	vgt.f32 v22, v11;
	v6 =	vadd.f32 $1.000000000e+00, v6;
	v48 =	vld.idx.msk [tilespmem:v4+s20+$0x0], $0xffff  }
0x111: {  	v49 =	vsel vm0, $0x1, v0;
	v3 =	vadd.f32 $1.000000000e+00, v3;
	vm0 =	vgt.f32 v23, v37;
	v50 =	vld.idx.msk [tilespmem:v5+s20+$0x0], $0xffff  }
0x112: {  	v51 =	vsel vm1, $0x1, v0;
	vm1 =	vgt.f32 v25, v8;
	v52 =	vld.idx.msk [tilespmem:v4+s21+$0x0], $0xffff;
	(erf) = vrcp.f32 v6  }
0x113: {  	v54 =	vsel vm0, $0x1, v0;
	v55 =	vsel vm1, $0x1, v0;
	v53 =	vld.idx.msk [tilespmem:v5+s21+$0x0], $0xffff;
	(erf) = vrcp.f32 v3  }
0x114: {  	v6 =	vand.u32 $0x1F, v7;
	v7 =	vand.u32 $0x1F, v9;
	v3 =	vand.u32 $0x1F, v44;
	v44 =	vld.idx.msk [tilespmem:v26+s22+$0x0], $0xffff  }
0x115: {  	v11 =	vand.u32 $0x1F, v11;
	v9 =	vand.u32 $0x1F, v24;
	v24 =	vand.u32 $0x1F, v10;
	v56 =	vld.idx.msk [tilespmem:v47+s20+$0x0], $0xffff  }
0x116: {  	v58 =	vand.u32 $0x1F, v37;
	v59 =	vand.u32 $0x1F, v8;
	v48 =	vmul.f32 v48, v38;
	v57 =	vld.idx.msk [tilespmem:v26+s20+$0x0], $0xffff  }
0x117: {  	v10 =	vadd.s32 v42, v6;
	v37 =	vadd.s32 v12, v3;
	v3 =	vmul.f32 v50, v39;
	v12 =	vld.idx.msk [tilespmem:v47+s21+$0x0], $0xffff  }
0x118: {  	v8 =	vadd.s32 v45, v7;
	v7 =	vadd.s32 v46, v9;
	v45 =	vadd.f32 v52, v48;
	v42 =	vld.idx.msk [tilespmem:v4+s19+$0x0], $0xffff  }
0x119: {  	v9 =	vadd.s32 v49, v24;
	v6 =	vadd.s32 v51, v11;
	v48 =	vadd.f32 v53, v3;
	v11 =	vld.idx.msk [tilespmem:v5+s19+$0x0], $0xffff  }
0x11a: {  	v4 =	vadd.s32 v55, v59;
	v5 =	vadd.s32 v54, v58;
	v49 =	vmul.f32 v45, v38;
	v46 =	vld.idx.msk [tilespmem:v26+s21+$0x0], $0xffff  }
0x11b: {  	v27 =	vsub.f32 v27, v40;
	v30 =	vsub.f32 v30, v20;
	v20 =	vmul.f32 v48, v39;
	v3 =	vld.idx.msk [tilespmem:v47+s19+$0x0], $0xffff;
	v24 =	vpop (erf)  }
0x11c: {  	v40 =	vshll.u32 v43, $0x10;
	v45 =	vshll.u32 v44, $0x10;
	v39 =	vld.idx.msk [tilespmem:v37+s18+$0x0], $0xffff;
	v24 =	vmul.f32 v24, v49;
	v38 =	vpop (erf)  }
0x11d: {  	v43 =	vand.u32 $0xFFFF0000, v43;
	v40 =	vmul.f32 v40, v27;
	v47 =	vld.idx.msk [tilespmem:v10+s18+$0x0], $0xffff;
	v20 =	vmul.f32 v38, v20  }
0x11e: {  	v38 =	vand.u32 $0xFFFF0000, v44;
	v44 =	vmul.f32 v45, v30;
	v45 =	vld.idx.msk [tilespmem:v8+s18+$0x0], $0xffff;
	v24 =	vadd.f32 v24, v42  }
0x11f: {  	s4 =	sadd.s32 $0xC0, s4;
	v40 =	vadd.f32 v43, v40;
	v42 =	vmul.f32 v56, v27;
	v43 =	vld.idx.msk [tilespmem:v7+s18+$0x0], $0xffff;
	v11 =	vadd.f32 v20, v11  }
0x120: {  	v20 =	vmul.f32 v57, v30;
	v38 =	vadd.f32 v38, v44;
	v44 =	vld.idx.msk [tilespmem:v9+s18+$0x0], $0xffff;
	[tilespmem:s4+$0x50] =	vst v24  }
0x121: {  	v12 =	vadd.f32 v12, v42;
	v24 =	vmul.f32 v40, v27;
	v40 =	vld.idx.msk [tilespmem:v6+s18+$0x0], $0xffff;
	[tilespmem:s16+$0x8B00] =	vst v11  }
0x122: {  	v18 =	vsub.f32 v18, v39;
	v39 =	vadd.f32 v46, v20;
	v38 =	vmul.f32 v38, v30;
	v42 =	vld.idx.msk [tilespmem:v5+s18+$0x0], $0xffff  }
0x123: {  	v11 =	vmul.f32 v12, v27;
	v27 =	vadd.f32 $1.000000000e+00, v24;
	v20 =	vsub.f32 v16, v47;
	v16 =	vld.idx.msk [tilespmem:v4+s18+$0x0], $0xffff  }
0x124: {  	v12 =	vmul.f32 v39, v30;
	v30 =	vadd.f32 $1.000000000e+00, v38;
	v24 =	vsub.f32 v17, v45;
	v46 =	vld.idx.msk [tilespmem:v37+s22+$0x0], $0xffff  }
0x125: {  	v21 =	vsub.f32 v21, v43;
	v17 =	vld.idx.msk [tilespmem:v10+s22+$0x0], $0xffff;
	(erf) = vrcp.f32 v27;
	v27 =	vadd.f32 v41, v31  }
0x126: {  	v19 =	vsub.f32 v19, v44;
	v31 =	vld.idx.msk [tilespmem:v8+s22+$0x0], $0xffff;
	(erf) = vrcp.f32 v30;
	v30 =	vadd.f32 v13, v32  }
0x127: {  	v13 =	vsub.f32 v22, v40;
	v22 =	vadd.f32 v14, v33;
	v32 =	vld.idx.msk [tilespmem:v7+s22+$0x0], $0xffff;
	[tilespmem:s7+$0xFFFFFFD0] =	vst v27  }
0x128: {  	v14 =	vsub.f32 v23, v42;
	v23 =	vadd.f32 v15, v34;
	v27 =	vld.idx.msk [tilespmem:v9+s22+$0x0], $0xffff;
	[tilespmem:s7+$0xFFFFFFE0] =	vst v30  }
0x129: {  	v15 =	vsub.f32 v25, v16;
	v16 =	vadd.f32 v29, v35;
	v30 =	vld.idx.msk [tilespmem:v6+s22+$0x0], $0xffff;
	[tilespmem:s7+$0xFFFFFFF0] =	vst v22  }
0x12a: {  	v22 =	vand.u32 $0xFFFF0000, v46;
	v25 =	vshll.u32 v46, $0x10;
	v33 =	vld.idx.msk [tilespmem:v5+s22+$0x0], $0xffff;
	[tilespmem:s7+$0x0] =	vst v23;
	v23 =	vadd.f32 v28, v36  }
0x12b: {  	v25 =	vmul.f32 v25, v18;
	v34 =	vand.u32 $0xFFFF0000, v17;
	v17 =	vshll.u32 v17, $0x10;
	v35 =	vld.idx.msk [tilespmem:v4+s22+$0x0], $0xffff;
	[tilespmem:s7+$0x10] =	vst v16  }
0x12c: {  	v38 =	vmul.f32 v17, v20;
	v39 =	vand.u32 $0xFFFF0000, v31;
	v16 =	vshll.u32 v31, $0x10;
	v36 =	vld.idx.msk [tilespmem:v37+s20+$0x0], $0xffff;
	[tilespmem:s7+$0x30] =	vst v23  }
0x12d: {  	v31 =	vmul.f32 v16, v24;
	v40 =	vand.u32 $0xFFFF0000, v32;
	v16 =	vshll.u32 v32, $0x10;
	v41 =	vld.idx.msk [tilespmem:v10+s20+$0x0], $0xffff  }
0x12e: {  	v32 =	vmul.f32 v16, v21;
	v43 =	vand.u32 $0xFFFF0000, v27;
	v16 =	vshll.u32 v27, $0x10;
	v42 =	vld.idx.msk [tilespmem:v8+s20+$0x0], $0xffff;
	v28 =	vpop (erf)  }
0x12f: {  	v27 =	vmul.f32 v16, v19;
	v45 =	vand.u32 $0xFFFF0000, v30;
	v16 =	vshll.u32 v30, $0x10;
	v44 =	vld.idx.msk [tilespmem:v7+s20+$0x0], $0xffff;
	v29 =	vpop (erf)  }
0x130: {  	v30 =	vmul.f32 v16, v13;
	v46 =	vand.u32 $0xFFFF0000, v33;
	v23 =	vshll.u32 v33, $0x10;
	v17 =	vld.idx.msk [tilespmem:v9+s20+$0x0], $0xffff  }
0x131: {  	v33 =	vmul.f32 v23, v14;
	v47 =	vand.u32 $0xFFFF0000, v35;
	v35 =	vshll.u32 v35, $0x10;
	v16 =	vld.idx.msk [tilespmem:v6+s20+$0x0], $0xffff  }
0x132: {  	v22 =	vadd.f32 v22, v25;
	v25 =	vadd.f32 v34, v38;
	v34 =	vmul.f32 v35, v15;
	v23 =	vld.idx.msk [tilespmem:v5+s20+$0x0], $0xffff  }
0x133: {  	v32 =	vadd.f32 v40, v32;
	v48 =	vmul.f32 v36, v18;
	v35 =	vadd.f32 v39, v31;
	v31 =	vld.idx.msk [tilespmem:v4+s20+$0x0], $0xffff  }
0x134: {  	v22 =	vmul.f32 v22, v18;
	v36 =	vadd.f32 v43, v27;
	v38 =	vadd.f32 v45, v30;
	v39 =	vld.idx.msk [tilespmem:v37+s21+$0x0], $0xffff  }
0x135: {  	v25 =	vmul.f32 v25, v20;
	v33 =	vadd.f32 v46, v33;
	v40 =	vadd.f32 v47, v34;
	v43 =	vld.idx.msk [tilespmem:v10+s21+$0x0], $0xffff  }
0x136: {  	v22 =	vadd.f32 $1.000000000e+00, v22;
	v32 =	vmul.f32 v32, v21;
	v34 =	vmul.f32 v35, v24;
	v27 =	vld.idx.msk [tilespmem:v8+s21+$0x0], $0xffff  }
0x137: {  	v25 =	vadd.f32 $1.000000000e+00, v25;
	v35 =	vmul.f32 v36, v19;
	v36 =	vmul.f32 v38, v13;
	v30 =	vld.idx.msk [tilespmem:v7+s21+$0x0], $0xffff  }
0x138: {  	v33 =	vmul.f32 v33, v14;
	v38 =	vadd.f32 $1.000000000e+00, v34;
	v45 =	vmul.f32 v40, v15;
	v34 =	vld.idx.msk [tilespmem:v9+s21+$0x0], $0xffff  }
.Ltmp0:
0x139: {  	v46 =	vadd.f32 $1.000000000e+00, v32;
	v47 =	vadd.f32 $1.000000000e+00, v35;
	v35 =	vld.idx.msk [tilespmem:v6+s21+$0x0], $0xffff;
	(erf) = vrcp.f32 v22;
	(pc) =	sbr.rel @p1 .LBB2_3-.Ltmp0, $4  }
0x13a: {  	v40 =	vadd.f32 $1.000000000e+00, v36;
	v36 =	vadd.f32 $1.000000000e+00, v33;
	v32 =	vld.idx.msk [tilespmem:v5+s21+$0x0], $0xffff;
	(erf) = vrcp.f32 v25  }
0x13b: {  	v22 =	vmul.f32 v41, v20;
	v41 =	vadd.f32 $1.000000000e+00, v45;
	v33 =	vld.idx.msk [tilespmem:v4+s21+$0x0], $0xffff;
	(erf) = vrcp.f32 v38  }
0x13c: {  	v42 =	vmul.f32 v42, v24;
	v25 =	vadd.f32 v39, v48;
	v38 =	vld.idx.msk [tilespmem:v37+s19+$0x0], $0xffff;
	(erf) = vrcp.f32 v46  }
0x13d: {  	s13 =	sadd.s32 $0xC0, s13;
	v22 =	vadd.f32 v43, v22;
	v37 =	vld.idx.msk [tilespmem:v26+s19+$0x0], $0xffff;
	v26 =	vmul.f32 v44, v21;
	(erf) = vrcp.f32 v47  }
0x13e: {  	_ =	sdelay $0x2  }
0x13f: {  	v17 =	vmul.f32 v17, v19;
	(erf) = vrcp.f32 v40  }
0x140: {  	v16 =	vmul.f32 v16, v13;
	v23 =	vmul.f32 v23, v14;
	v10 =	vld.idx.msk [tilespmem:v10+s19+$0x0], $0xffff  }
0x141: {  	v18 =	vmul.f32 v25, v18;
	v49 =	vmul.f32 v31, v15;
	v8 =	vld.idx.msk [tilespmem:v8+s19+$0x0], $0xffff  }
0x142: {  	v7 =	vld.idx.msk [tilespmem:v7+s19+$0x0], $0xffff;
	v1 =	vadd.f32 v2, v1;
	v2 =	vmul.f32 v28, v11;
	(erf) = vrcp.f32 v36  }
0x143: {  	v27 =	vadd.f32 v27, v42;
	v9 =	vld.idx.msk [tilespmem:v9+s19+$0x0], $0xffff;
	v12 =	vmul.f32 v29, v12;
	(erf) = vrcp.f32 v41  }
0x144: {  	v6 =	vld.idx.msk [tilespmem:v6+s19+$0x0], $0xffff;
	v26 =	vadd.f32 v30, v26;
	v20 =	vmul.f32 v22, v20;
	v17 =	vadd.f32 v34, v17;
	v51 =	vpop (erf)  }
0x145: {  	v5 =	vld.idx.msk [tilespmem:v5+s19+$0x0], $0xffff;
	v16 =	vadd.f32 v35, v16;
	v50 =	vmul.f32 v27, v24;
	v23 =	vadd.f32 v32, v23;
	v53 =	vpop (erf)  }
0x146: {  	v4 =	vld.idx.msk [tilespmem:v4+s19+$0x0], $0xffff;
	v2 =	vadd.f32 v2, v3;
	v21 =	vmul.f32 v26, v21;
	v18 =	vmul.f32 v51, v18;
	v54 =	vpop (erf)  }
0x147: {  	[tilespmem:s7+$0x40] =	vst v1;
	v17 =	vmul.f32 v17, v19;
	v12 =	vadd.f32 v12, v37;
	v1 =	vmul.f32 v53, v20;
	v3 =	vpop (erf)  }
0x148: {  	[tilespmem:s4+$0xFFFFFFB0] =	vst v2;
	v18 =	vadd.f32 v18, v38;
	v55 =	vmul.f32 v54, v50;
	v3 =	vmul.f32 v3, v21  }
0x149: {  	v52 =	vadd.f32 v33, v49;
	v57 =	vmul.f32 v16, v13;
	[tilespmem:s4+$0xFFFFFFC0] =	vst v12;
	v56 =	vpop (erf);
	v1 =	vadd.f32 v1, v10  }
0x14a: {  	v58 =	vmul.f32 v23, v14;
	[tilespmem:s4+$0xFFFFFFA0] =	vst v18;
	v2 =	vpop (erf);
	v59 =	vmul.f32 v56, v17;
	v8 =	vadd.f32 v55, v8  }
0x14b: {  	v61 =	vmul.f32 v52, v15;
	v60 =	vpop (erf);
	v2 =	vmul.f32 v2, v57;
	[tilespmem:s4+$0xFFFFFFD0] =	vst v1;
	v1 =	vadd.f32 v3, v7  }
0x14c: {  	v62 =	vmul.f32 v60, v58;
	[tilespmem:s4+$0xFFFFFFE0] =	vst v8;
	v63 =	vadd.f32 v59, v9;
	v3 =	vpop (erf)  }
0x14d: {  	[tilespmem:s4+$0xFFFFFFF0] =	vst v1;
	v1 =	vadd.f32 v2, v6;
	v3 =	vmul.f32 v3, v61  }
0x14e: {  	[tilespmem:s4+$0x0] =	vst v63;
	v2 =	vadd.f32 v62, v5  }
0x14f: {  	[tilespmem:s4+$0x10] =	vst v1;
	v1 =	vadd.f32 v3, v4  }
0x150: {  	[tilespmem:s4+$0x30] =	vst v2  }
0x151: {  	[tilespmem:s4+$0x40] =	vst v1  }
.LBB2_5:
0x152: {  	s4 =	sshra.s32 s2, $0x2  }
0x153: {  	v1 =	vld [tilespmem:s4+$0x4A40];
	_ =	sdelay $0x4  }
0x154: {  	v2 =	vmax.f32 v1, $-5.500000000e+00  }
0x155: {  	v2 =	vmin.f32 v2, $5.500000000e+00  }
0x156: {  	v2 =	vmul.f32 $1.860909120e+02, v2;
	_ =	sdelay $0x1  }
0x157: {  	v2 =	vadd.f32 $8.389632000e+06, v2;
	_ =	sdelay $0x1  }
0x158: {  	v2 =	vand.u32 $0x7FF, v2;
	_ =	sdelay $0x4  }
0x159: {  	v2 =	vld.idx.msk [tilespmem:v2+s5+$0x0], $0xffff;
	_ =	sdelay $0x4  }
0x15a: {  	vm0 =	vgt.f32 v1, v2  }
0x15b: {  	v2 =	vand.u32 $0x1F, v2;
	v3 =	vsel vm0, $0x1, v0  }
0x15c: {  	v2 =	vadd.s32 v3, v2;
	_ =	sdelay $0x4  }
0x15d: {  	v3 =	vld.idx.msk [tilespmem:v2+s18+$0x0], $0xffff  }
0x15e: {  	v4 =	vld.idx.msk [tilespmem:v2+s22+$0x0], $0xffff;
	_ =	sdelay $0x3  }
0x15f: {  	v1 =	vsub.f32 v1, v3  }
0x160: {  	v3 =	vshll.u32 v4, $0x10  }
0x161: {  	v3 =	vmul.f32 v3, v1  }
0x162: {  	v4 =	vand.u32 $0xFFFF0000, v4  }
0x163: {  	v3 =	vadd.f32 v4, v3;
	_ =	sdelay $0x1  }
0x164: {  	v3 =	vmul.f32 v3, v1;
	_ =	sdelay $0x1  }
0x165: {  	v63 =	vld.idx.msk [tilespmem:v2+s20+$0x0], $0xffff;
	v3 =	vadd.f32 $1.000000000e+00, v3;
	_ =	sdelay $0x1  }
0x166: {  	(erf) = vrcp.f32 v3;
	v3 =	vld.idx.msk [tilespmem:v2+s21+$0x0], $0xffff;
	_ =	sdelay $0x2  }
0x167: {  	v4 =	vmul.f32 v63, v1;
	_ =	sdelay $0x1  }
0x168: {  	v3 =	vadd.f32 v3, v4;
	_ =	sdelay $0x1  }
0x169: {  	v2 =	vld.idx.msk [tilespmem:v2+s19+$0x0], $0xffff  }
0x16a: {  	v1 =	vmul.f32 v3, v1  }
0x16b: {  	p1 =	sne.s32 s2, $0xC0;
	v3 =	vpop (erf)  }
.Ltmp1:
0x16c: {  	v1 =	vmul.f32 v3, v1;
	(pc) =	sbr.rel @p1 .LBB2_5-.Ltmp1, $3  }
0x16d: {  	_ = 	snop  }
0x16e: {  	v1 =	vadd.f32 v1, v2;
	_ =	sdelay $0x1  }
0x16f: {  	s2 =	sadd.s32 $0x40, s2;
	[tilespmem:s4+$0xCA40] =	vst v1  }
0x170: {  	p1 =	sne.s32 s9, $0xF  }
.Ltmp2:
0x171: {  	_ = 	snop;
	(pc) =	sbr.rel @p1 .LBB2_8-.Ltmp2, $4  }
0x172: {  	_ = 	snop  }
0x173: {  	s2 =	sshrl.u32 s10, $0x3  }
0x174: {  	s4 =	sadd.s32 s3, s2  }
0x175: {  	[hbm4b:s4+s5] =	stream.linear.scatter [tilespmem:s26], [sflag:$0x3], $0x4000, $0x38;
	[tilespmem:$0x10A80] =	vst v63  }
.Ltmp3:
0x176: {  	(pc) =	sbr.rel .LBB2_9-.Ltmp3, $4  }
0x177: {  	_ = 	snop  }
0x178: {  	_ =	swait.ge [sflag:s28], $0x4000  }
0x179: {  	[sflag:s28] =	ssyncset.done $0x0  }
0x17a: {  	[sflag:s28] =	ssyncadd.s32 $0xFFFFC000  }
.LBB2_8:
0x17b: {  	s4 =	sadd.s32 s24, s14  }
0x17c: {  	s4 =	sshrl.u32 s4, $0x3  }
.Ltmp4:
0x17d: {  	s4 =	sadd.s32 s1, s4;
	(pc) =	sbr.rel @p0 .LBB2_10-.Ltmp4, $4  }
0x17e: {  	[tilespmem:s23], [sflag:$0x1] =	stream.linear.gather [hbm4b:s4+s5], $0x4000, $0x38;
	[tilespmem:$0x10A80] =	vst v63  }
0x17f: {  	_ =	swait.ge [sflag:s28], $0x4000  }
0x180: {  	[sflag:s28] =	ssyncset.done $0x0  }
0x181: {  	[sflag:s28] =	ssyncadd.s32 $0xFFFFC000  }
.LBB2_9:
0x182: {  	_ =	swait.ge [sflag:s29], $0x4000  }
0x183: {  	[sflag:s29] =	ssyncset.done $0x0  }
0x184: {  	[sflag:s29] =	ssyncadd.s32 $0xFFFFC000  }
.LBB2_10:
0x185: {  	s7 =	simm.s32 $0x4AE0  }
0x186: {  	s6 =	simm.s32 $0x0;
	v3 =	vld [tilespmem:s7+$0x50]  }
0x187: {  	s4 =	sand.u32 $0x3FC0, s6;
	v17 =	vld [tilespmem:s7+$0xFFFFFFB0]  }
0x188: {  	v4 =	vld [tilespmem:s4+$0x4B00]  }
0x189: {  	v16 =	vld [tilespmem:s7+$0xFFFFFFC0]  }
0x18a: {  	v9 =	vld [tilespmem:s7+$0xFFFFFFD0]  }
0x18b: {  	v11 =	vld [tilespmem:s7+$0xFFFFFFE0];
	v1 =	vmax.f32 v3, $-5.500000000e+00  }
0x18c: {  	v13 =	vld [tilespmem:s7+$0xFFFFFFF0];
	v1 =	vmin.f32 v1, $5.500000000e+00  }
0x18d: {  	v12 =	vld [tilespmem:s7+$0x0];
	v2 =	vmax.f32 v4, $-5.500000000e+00;
	v1 =	vmul.f32 $1.860909120e+02, v1  }
0x18e: {  	v14 =	vld [tilespmem:s7+$0x10];
	v2 =	vmin.f32 v2, $5.500000000e+00  }
0x18f: {  	v15 =	vld [tilespmem:s7+$0x30];
	v2 =	vmul.f32 $1.860909120e+02, v2;
	v1 =	vadd.f32 $8.389632000e+06, v1  }
0x190: {  	v19 =	vld [tilespmem:s7+$0x40]  }
0x191: {  	v18 =	vld [tilespmem:s7+$0xFFFFFFA0];
	v2 =	vadd.f32 $8.389632000e+06, v2;
	v1 =	vand.u32 $0x7FF, v1  }
0x192: {  	v5 =	vmax.f32 v17, $-5.500000000e+00;
	v6 =	vmax.f32 v16, $-5.500000000e+00  }
0x193: {  	v7 =	vmax.f32 v9, $-5.500000000e+00;
	v8 =	vmax.f32 v11, $-5.500000000e+00;
	v2 =	vand.u32 $0x7FF, v2  }
0x194: {  	v10 =	vmax.f32 v13, $-5.500000000e+00;
	v20 =	vmax.f32 v12, $-5.500000000e+00;
	v21 =	vmax.f32 v14, $-5.500000000e+00  }
0x195: {  	v22 =	vmax.f32 v15, $-5.500000000e+00;
	v23 =	vmax.f32 v19, $-5.500000000e+00;
	v5 =	vmin.f32 v5, $5.500000000e+00  }
0x196: {  	v24 =	vmax.f32 v18, $-5.500000000e+00;
	v6 =	vmin.f32 v6, $5.500000000e+00;
	v5 =	vmul.f32 $1.860909120e+02, v5;
	v1 =	vld.idx.msk [tilespmem:v1+s6+$0x0], $0xffff  }
0x197: {  	v7 =	vmin.f32 v7, $5.500000000e+00;
	v8 =	vmin.f32 v8, $5.500000000e+00;
	v6 =	vmul.f32 $1.860909120e+02, v6  }
0x198: {  	v10 =	vmin.f32 v10, $5.500000000e+00;
	v7 =	vmul.f32 $1.860909120e+02, v7;
	v5 =	vadd.f32 $8.389632000e+06, v5;
	v2 =	vld.idx.msk [tilespmem:v2+s6+$0x0], $0xffff  }
0x199: {  	v20 =	vmin.f32 v20, $5.500000000e+00;
	v21 =	vmin.f32 v21, $5.500000000e+00;
	v6 =	vadd.f32 $8.389632000e+06, v6  }
0x19a: {  	v22 =	vmin.f32 v22, $5.500000000e+00;
	v7 =	vadd.f32 $8.389632000e+06, v7;
	v5 =	vand.u32 $0x7FF, v5  }
0x19b: {  	v24 =	vmin.f32 v24, $5.500000000e+00;
	v6 =	vand.u32 $0x7FF, v6;
	vm0 =	vgt.f32 v3, v1  }
0x19c: {  	v7 =	vand.u32 $0x7FF, v7;
	v1 =	vand.u32 $0x1F, v1;
	v25 =	vsel vm0, $0x1, v0  }
0x19d: {  	v24 =	vmul.f32 $1.860909120e+02, v24;
	vm6 =	vgt.f32 v4, v2;
	v25 =	vadd.s32 v25, v1  }
0x19e: {  	v2 =	vand.u32 $0x1F, v2;
	v1 =	vmul.f32 $1.860909120e+02, v8;
	v8 =	vsel vm6, $0x1, v0  }
0x19f: {  	v24 =	vadd.f32 $8.389632000e+06, v24;
	v5 =	vld.idx.msk [tilespmem:v5+s6+$0x0], $0xffff;
	v8 =	vadd.s32 v8, v2;
	v2 =	vmul.f32 $1.860909120e+02, v10  }
0x1a0: {  	v23 =	vmin.f32 v23, $5.500000000e+00;
	v6 =	vld.idx.msk [tilespmem:v6+s6+$0x0], $0xffff;
	v10 =	vmul.f32 $1.860909120e+02, v20;
	v1 =	vadd.f32 $8.389632000e+06, v1  }
0x1a1: {  	v7 =	vld.idx.msk [tilespmem:v7+s6+$0x0], $0xffff;
	v20 =	vmul.f32 $1.860909120e+02, v21;
	v21 =	vand.u32 $0x7FF, v24;
	v2 =	vadd.f32 $8.389632000e+06, v2  }
0x1a2: {  	v22 =	vmul.f32 $1.860909120e+02, v22;
	v10 =	vadd.f32 $8.389632000e+06, v10;
	v1 =	vand.u32 $0x7FF, v1;
	v24 =	vld.idx.msk [tilespmem:v25+s22+$0x0], $0xffff  }
0x1a3: {  	v23 =	vmul.f32 $1.860909120e+02, v23;
	v20 =	vadd.f32 $8.389632000e+06, v20;
	v26 =	vld.idx.msk [tilespmem:v25+s18+$0x0], $0xffff;
	v27 =	vand.u32 $0x7FF, v2  }
0x1a4: {  	v2 =	vadd.f32 $8.389632000e+06, v22;
	v10 =	vand.u32 $0x7FF, v10;
	v28 =	vld.idx.msk [tilespmem:v8+s18+$0x0], $0xffff  }
0x1a5: {  	vm7 =	vgt.f32 v17, v5;
	v22 =	vadd.f32 $8.389632000e+06, v23;
	v20 =	vand.u32 $0x7FF, v20;
	v23 =	vld.idx.msk [tilespmem:v8+s22+$0x0], $0xffff  }
0x1a6: {  	vm8 =	vgt.f32 v16, v6;
	vm1 =	vgt.f32 v9, v7;
	v21 =	vld.idx.msk [tilespmem:v21+s6+$0x0], $0xffff;
	v29 =	vand.u32 $0x7FF, v2  }
0x1a7: {  	v22 =	vand.u32 $0x7FF, v22;
	v2 =	vand.u32 $0x1F, v5;
	v5 =	vsel vm7, $0x1, v0;
	v30 =	vld.idx.msk [tilespmem:v1+s6+$0x0], $0xffff  }
0x1a8: {  	v2 =	vadd.s32 v5, v2;
	v5 =	vsel vm8, $0x1, v0;
	v1 =	vand.u32 $0x1F, v6;
	v6 =	vld.idx.msk [tilespmem:v27+s6+$0x0], $0xffff  }
0x1a9: {  	v7 =	vand.u32 $0x1F, v7;
	v1 =	vadd.s32 v5, v1;
	v5 =	vld.idx.msk [tilespmem:v10+s6+$0x0], $0xffff;
	v26 =	vsub.f32 v3, v26  }
0x1aa: {  	v31 =	vsel vm1, $0x1, v0;
	v3 =	vld.idx.msk [tilespmem:v20+s6+$0x0], $0xffff;
	v20 =	vsub.f32 v4, v28;
	v4 =	vshll.u32 v24, $0x10  }
0x1ab: {  	v32 =	vld.idx.msk [tilespmem:v25+s20+$0x0], $0xffff;
	v10 =	vshll.u32 v23, $0x10;
	vm9 =	vgt.f32 v18, v21;
	v4 =	vmul.f32 v4, v26  }
0x1ac: {  	v23 =	vand.u32 $0xFFFF0000, v23;
	v28 =	vld.idx.msk [tilespmem:v22+s6+$0x0], $0xffff;
	v22 =	vand.u32 $0xFFFF0000, v24;
	v10 =	vmul.f32 v10, v20  }
0x1ad: {  	v36 =	vld.idx.msk [tilespmem:v25+s21+$0x0], $0xffff;
	v21 =	vand.u32 $0x1F, v21;
	v4 =	vadd.f32 v22, v4;
	v22 =	vsel vm9, $0x1, v0  }
0x1ae: {  	v34 =	vld.idx.msk [tilespmem:v8+s20+$0x0], $0xffff;
	vm10 =	vgt.f32 v11, v30;
	v10 =	vadd.f32 v23, v10;
	vm11 =	vgt.f32 v13, v6  }
0x1af: {  	v27 =	vld.idx.msk [tilespmem:v29+s6+$0x0], $0xffff;
	v33 =	vsel vm10, $0x1, v0;
	vm12 =	vgt.f32 v12, v5;
	vm13 =	vgt.f32 v14, v3  }
0x1b0: {  	v38 =	vld.idx.msk [tilespmem:v8+s21+$0x0], $0xffff;
	v22 =	vadd.s32 v22, v21;
	v21 =	vand.u32 $0x1F, v30;
	v30 =	vand.u32 $0x1F, v6  }
0x1b1: {  	v24 =	vld.idx.msk [tilespmem:v2+s18+$0x0], $0xffff;
	v5 =	vand.u32 $0x1F, v5;
	v3 =	vand.u32 $0x1F, v3;
	v4 =	vmul.f32 v4, v26  }
0x1b2: {  	v42 =	vld.idx.msk [tilespmem:v2+s20+$0x0], $0xffff;
	v35 =	vsel vm11, $0x1, v0;
	v37 =	vsel vm12, $0x1, v0;
	v10 =	vmul.f32 v10, v20  }
0x1b3: {  	v29 =	vld.idx.msk [tilespmem:v1+s18+$0x0], $0xffff;
	v39 =	vsel vm13, $0x1, v0;
	v6 =	vadd.s32 v33, v21;
	v4 =	vadd.f32 $1.000000000e+00, v4  }
0x1b4: {  	v21 =	vld.idx.msk [tilespmem:v25+s19+$0x0], $0xffff;
	v25 =	vmul.f32 v32, v26;
	vm14 =	vgt.f32 v15, v27;
	v10 =	vadd.f32 $1.000000000e+00, v10  }
0x1b5: {  	v23 =	vld.idx.msk [tilespmem:v2+s22+$0x0], $0xffff;
	vm15 =	vgt.f32 v19, v28;
	v27 =	vand.u32 $0x1F, v27;
	(erf) = vrcp.f32 v4  }
0x1b6: {  	v44 =	vld.idx.msk [tilespmem:v2+s21+$0x0], $0xffff;
	v28 =	vand.u32 $0x1F, v28;
	(erf) = vrcp.f32 v10;
	v10 =	vadd.s32 v31, v7  }
0x1b7: {  	v40 =	vld.idx.msk [tilespmem:v1+s22+$0x0], $0xffff;
	v41 =	vsel vm15, $0x1, v0;
	v25 =	vadd.f32 v36, v25;
	v7 =	vadd.s32 v35, v30  }
0x1b8: {  	v31 =	vmul.f32 v34, v20;
	v30 =	vld.idx.msk [tilespmem:v8+s19+$0x0], $0xffff;
	v8 =	vadd.s32 v37, v5;
	v5 =	vadd.s32 v39, v3  }
0x1b9: {  	v24 =	vsub.f32 v17, v24;
	v4 =	vsel vm14, $0x1, v0;
	v53 =	vld.idx.msk [tilespmem:v22+s18+$0x0], $0xffff;
	v17 =	vmul.f32 v25, v26  }
0x1ba: {  	v25 =	vsub.f32 v16, v29;
	v16 =	vshll.u32 v23, $0x10;
	v26 =	vld.idx.msk [tilespmem:v6+s18+$0x0], $0xffff;
	v31 =	vadd.f32 v38, v31  }
0x1bb: {  	v4 =	vadd.s32 v4, v27;
	v3 =	vadd.s32 v41, v28;
	v16 =	vmul.f32 v16, v24;
	v27 =	vld.idx.msk [tilespmem:v10+s18+$0x0], $0xffff  }
0x1bc: {  	v23 =	vand.u32 $0xFFFF0000, v23;
	v20 =	vmul.f32 v31, v20;
	v31 =	vld.idx.msk [tilespmem:v7+s18+$0x0], $0xffff  }
0x1bd: {  	v16 =	vadd.f32 v23, v16;
	v23 =	vld.idx.msk [tilespmem:v5+s18+$0x0], $0xffff  }
0x1be: {  	v43 =	vld.idx.msk [tilespmem:v1+s20+$0x0], $0xffff  }
0x1bf: {  	v52 =	vld.idx.msk [tilespmem:v1+s21+$0x0], $0xffff;
	v29 =	vshll.u32 v40, $0x10;
	v55 =	vand.u32 $0xFFFF0000, v40  }
0x1c0: {  	v56 =	vmul.f32 v42, v24;
	v61 =	vsub.f32 v18, v53;
	v60 =	vld.idx.msk [tilespmem:v3+s18+$0x0], $0xffff;
	v63 =	vsub.f32 v11, v26;
	v28 =	vpop (erf)  }
0x1c1: {  	v17 =	vmul.f32 v28, v17;
	v28 =	vmul.f32 v29, v25;
	v29 =	vld.idx.msk [tilespmem:v8+s18+$0x0], $0xffff;
	v54 =	vpop (erf);
	v62 =	vsub.f32 v9, v27  }
0x1c2: {  	v58 =	vld.idx.msk [tilespmem:v4+s18+$0x0], $0xffff;
	v20 =	vmul.f32 v54, v20;
	v13 =	vsub.f32 v13, v31;
	v27 =	vsub.f32 v14, v23  }
0x1c3: {  	v57 =	vmul.f32 v43, v25;
	v14 =	vld.idx.msk [tilespmem:v5+s22+$0x0], $0xffff;
	v28 =	vadd.f32 v55, v28;
	v17 =	vadd.f32 v17, v21  }
0x1c4: {  	v59 =	vmul.f32 v16, v24;
	v21 =	vadd.f32 v44, v56;
	v16 =	vadd.f32 v20, v30;
	v30 =	vld.idx.msk [tilespmem:v22+s22+$0x0], $0xffff  }
0x1c5: {  	v11 =	vld.idx.msk [tilespmem:v7+s22+$0x0], $0xffff;
	v26 =	vsub.f32 v19, v60;
	v20 =	vadd.f32 v52, v57;
	v28 =	vmul.f32 v28, v25  }
0x1c6: {  	v18 =	vmul.f32 v21, v24;
	v21 =	vadd.f32 $1.000000000e+00, v59;
	v24 =	vld.idx.msk [tilespmem:v10+s22+$0x0], $0xffff;
	v34 =	vsub.f32 v12, v29  }
0x1c7: {  	v9 =	vmul.f32 v20, v25;
	v12 =	vld.idx.msk [tilespmem:v8+s22+$0x0], $0xffff;
	v25 =	vsub.f32 v15, v58;
	v20 =	vadd.f32 $1.000000000e+00, v28  }
0x1c8: {  	s7 =	simm.s32 $0xC0;
	v28 =	vld.idx.msk [tilespmem:v6+s22+$0x0], $0xffff;
	(erf) = vrcp.f32 v21;
	v49 =	vshll.u32 v14, $0x10;
	v14 =	vand.u32 $0xFFFF0000, v14  }
0x1c9: {  	s13 =	sand.u32 $0x3FC0, s7;
	v37 =	vmul.f32 v49, v27;
	(erf) = vrcp.f32 v20;
	v15 =	vshll.u32 v30, $0x10  }
0x1ca: {  	v36 =	vld [tilespmem:s13+$0x4B00];
	v19 =	vand.u32 $0xFFFF0000, v30;
	v30 =	vshll.u32 v11, $0x10;
	v11 =	vand.u32 $0xFFFF0000, v11  }
0x1cb: {  	v20 =	vld.idx.msk [tilespmem:v4+s22+$0x0], $0xffff;
	v15 =	vmul.f32 v15, v61;
	v21 =	vshll.u32 v24, $0x10;
	v23 =	vand.u32 $0xFFFF0000, v24  }
0x1cc: {  	v50 =	vld.idx.msk [tilespmem:v6+s20+$0x0], $0xffff;
	v30 =	vmul.f32 v30, v13;
	v14 =	vadd.f32 v14, v37;
	v21 =	vmul.f32 v21, v62  }
0x1cd: {  	v24 =	vld.idx.msk [tilespmem:v3+s22+$0x0], $0xffff;
	v47 =	vshll.u32 v12, $0x10;
	v12 =	vand.u32 $0xFFFF0000, v12;
	v29 =	vshll.u32 v28, $0x10  }
0x1ce: {  	v48 =	vld.idx.msk [tilespmem:v10+s20+$0x0], $0xffff;
	v28 =	vand.u32 $0xFFFF0000, v28;
	v35 =	vmul.f32 v47, v34;
	v15 =	vadd.f32 v19, v15  }
0x1cf: {  	v31 =	vld.idx.msk [tilespmem:v22+s20+$0x0], $0xffff;
	v11 =	vadd.f32 v11, v30;
	v14 =	vmul.f32 v14, v27;
	v29 =	vmul.f32 v29, v63  }
0x1d0: {  	v45 =	vld.idx.msk [tilespmem:v4+s21+$0x0], $0xffff;
	v19 =	vadd.f32 v23, v21;
	v51 =	vshll.u32 v20, $0x10;
	v20 =	vand.u32 $0xFFFF0000, v20  }
0x1d1: {  	v54 =	vld.idx.msk [tilespmem:v8+s20+$0x0], $0xffff;
	v15 =	vmul.f32 v15, v61;
	v12 =	vadd.f32 v12, v35;
	v11 =	vmul.f32 v11, v13  }
0x1d2: {  	v55 =	vld.idx.msk [tilespmem:v10+s21+$0x0], $0xffff;
	v14 =	vadd.f32 $1.000000000e+00, v14;
	v40 =	vmul.f32 v51, v25;
	v53 =	vand.u32 $0xFFFF0000, v24  }
0x1d3: {  	v56 =	vld.idx.msk [tilespmem:v6+s21+$0x0], $0xffff;
	v24 =	vshll.u32 v24, $0x10;
	v28 =	vadd.f32 v28, v29;
	v19 =	vmul.f32 v19, v62  }
0x1d4: {  	v52 =	vld.idx.msk [tilespmem:v7+s20+$0x0], $0xffff;
	v23 =	vmul.f32 v24, v26;
	v24 =	vmul.f32 v31, v61;
	v15 =	vadd.f32 $1.000000000e+00, v15  }
0x1d5: {  	v31 =	vld.idx.msk [tilespmem:v22+s21+$0x0], $0xffff;
	v11 =	vadd.f32 $1.000000000e+00, v11;
	v20 =	vadd.f32 v20, v40;
	v28 =	vmul.f32 v28, v63  }
0x1d6: {  	v57 =	vld.idx.msk [tilespmem:v7+s21+$0x0], $0xffff;
	v12 =	vmul.f32 v12, v34;
	v19 =	vadd.f32 $1.000000000e+00, v19;
	v23 =	vadd.f32 v53, v23  }
0x1d7: {  	v58 =	vld.idx.msk [tilespmem:v8+s21+$0x0], $0xffff;
	(erf) = vrcp.f32 v15;
	v28 =	vadd.f32 $1.000000000e+00, v28;
	v20 =	vmul.f32 v20, v25  }
0x1d8: {  	s10 =	simm.s32 $0x4BA0;
	v21 =	vld.idx.msk [tilespmem:v5+s20+$0x0], $0xffff;
	v12 =	vadd.f32 $1.000000000e+00, v12;
	(erf) = vrcp.f32 v19;
	v19 =	vmul.f32 v48, v62  }
0x1d9: {  	v35 =	vld [tilespmem:s10+$0x50];
	v23 =	vmul.f32 v23, v26;
	v15 =	vadd.f32 $1.000000000e+00, v20;
	(erf) = vrcp.f32 v28  }
0x1da: {  	v29 =	vld.idx.msk [tilespmem:v4+s20+$0x0], $0xffff;
	v24 =	vadd.f32 v31, v24;
	v20 =	vmul.f32 v50, v63;
	v19 =	vadd.f32 v55, v19  }
0x1db: {  	v59 =	vld.idx.msk [tilespmem:v5+s21+$0x0], $0xffff;
	v31 =	vmul.f32 v54, v34;
	v23 =	vadd.f32 $1.000000000e+00, v23;
	(erf) = vrcp.f32 v11  }
0x1dc: {  	v30 =	vld.idx.msk [tilespmem:v3+s20+$0x0], $0xffff;
	v11 =	vmul.f32 v52, v13;
	(erf) = vrcp.f32 v12;
	v12 =	vadd.f32 v56, v20  }
0x1dd: {  	v28 =	vld.idx.msk [tilespmem:v3+s21+$0x0], $0xffff;
	v37 =	vadd.f32 v58, v31;
	v39 =	vmul.f32 v24, v61;
	v41 =	vmul.f32 v19, v62  }
0x1de: {  	v20 =	vld [tilespmem:s10+$0xFFFFFFB0];
	(erf) = vrcp.f32 v14;
	v14 =	vadd.f32 v57, v11;
	v11 =	vmul.f32 v21, v27  }
0x1df: {  	v19 =	vmax.f32 v35, $-5.500000000e+00;
	v21 =	vld [tilespmem:s10+$0xFFFFFFC0];
	(erf) = vrcp.f32 v15;
	v15 =	vmul.f32 v29, v25  }
0x1e0: {  	v42 =	vmul.f32 v12, v63;
	v12 =	vld [tilespmem:s10+$0xFFFFFFE0];
	(erf) = vrcp.f32 v23;
	v40 =	vadd.f32 v59, v11  }
0x1e1: {  	v23 =	vmul.f32 v30, v26;
	v11 =	vld [tilespmem:s10+$0xFFFFFFD0];
	v43 =	vmul.f32 v14, v13;
	v14 =	vmax.f32 v36, $-5.500000000e+00  }
0x1e2: {  	v13 =	vld [tilespmem:s10+$0xFFFFFFF0];
	v38 =	vadd.f32 v45, v15;
	v15 =	vmin.f32 v19, $5.500000000e+00;
	v24 =	vmin.f32 v14, $5.500000000e+00  }
0x1e3: {  	v19 =	vld [tilespmem:s10+$0x0];
	v15 =	vmul.f32 $1.860909120e+02, v15;
	v44 =	vadd.f32 v28, v23;
	v23 =	vmax.f32 v20, $-5.500000000e+00  }
0x1e4: {  	v14 =	vld [tilespmem:s10+$0x10];
	v24 =	vmul.f32 $1.860909120e+02, v24;
	v23 =	vmin.f32 v23, $5.500000000e+00;
	v38 =	vmul.f32 v38, v25  }
0x1e5: {  	v28 =	vadd.f32 $8.389632000e+06, v15;
	v29 =	vmul.f32 $1.860909120e+02, v23;
	v15 =	vmax.f32 v21, $-5.500000000e+00  }
0x1e6: {  	v47 =	vld.idx.msk [tilespmem:v2+s19+$0x0], $0xffff;
	v60 =	vadd.f32 $8.389632000e+06, v24;
	v61 =	vmax.f32 v12, $-5.500000000e+00;
	v30 =	vmax.f32 v11, $-5.500000000e+00  }
0x1e7: {  	v23 =	vld [tilespmem:s10+$0x30];
	v31 =	vmin.f32 v15, $5.500000000e+00;
	v62 =	vmax.f32 v13, $-5.500000000e+00;
	v33 =	vmin.f32 v61, $5.500000000e+00  }
0x1e8: {  	v24 =	vld [tilespmem:s10+$0xFFFFFFA0];
	v28 =	vand.u32 $0x7FF, v28;
	v30 =	vmin.f32 v30, $5.500000000e+00;
	v46 =	vmax.f32 v19, $-5.500000000e+00  }
0x1e9: {  	v15 =	vld [tilespmem:s10+$0x40];
	v32 =	vand.u32 $0x7FF, v60;
	v2 =	vmin.f32 v62, $5.500000000e+00;
	v54 =	vmax.f32 v14, $-5.500000000e+00  }
0x1ea: {  	v48 =	vld.idx.msk [tilespmem:v22+s19+$0x0], $0xffff;
	v22 =	vmul.f32 $1.860909120e+02, v31;
	v52 =	vmul.f32 $1.860909120e+02, v33;
	v63 =	vmin.f32 v46, $5.500000000e+00  }
0x1eb: {  	v51 =	vld.idx.msk [tilespmem:v1+s19+$0x0], $0xffff;
	v31 =	vmin.f32 v54, $5.500000000e+00;
	v49 =	vmul.f32 $1.860909120e+02, v30;
	v2 =	vmul.f32 $1.860909120e+02, v2  }
0x1ec: {  	v33 =	vld.idx.msk [tilespmem:v4+s19+$0x0], $0xffff;
	v45 =	vmul.f32 $1.860909120e+02, v63;
	v53 =	vmul.f32 $1.860909120e+02, v31;
	v4 =	vadd.f32 $8.389632000e+06, v52  }
0x1ed: {  	v62 =	vpop (erf);
	v55 =	vmax.f32 v23, $-5.500000000e+00;
	v1 =	vmax.f32 v24, $-5.500000000e+00;
	v2 =	vadd.f32 $8.389632000e+06, v2;
	v50 =	vld.idx.msk [tilespmem:v28+s6+$0x0], $0xffff  }
0x1ee: {  	v18 =	vmul.f32 v62, v18;
	v30 =	vmin.f32 v55, $5.500000000e+00;
	v56 =	vmax.f32 v15, $-5.500000000e+00;
	v58 =	vld.idx.msk [tilespmem:v32+s6+$0x0], $0xffff  }
0x1ef: {  	v1 =	vmin.f32 v1, $5.500000000e+00;
	v4 =	vand.u32 $0x7FF, v4;
	v28 =	vld.idx.msk [tilespmem:v10+s19+$0x0], $0xffff;
	v10 =	vadd.f32 $8.389632000e+06, v29  }
0x1f0: {  	v60 =	vadd.f32 $8.389632000e+06, v53;
	v1 =	vmul.f32 $1.860909120e+02, v1;
	v29 =	vld.idx.msk [tilespmem:v6+s19+$0x0], $0xffff;
	v6 =	vadd.f32 $8.389632000e+06, v22  }
0x1f1: {  	v22 =	vmul.f32 $1.860909120e+02, v30;
	v32 =	vld.idx.msk [tilespmem:v5+s19+$0x0], $0xffff;
	v5 =	vadd.f32 $8.389632000e+06, v49;
	v10 =	vand.u32 $0x7FF, v10  }
0x1f2: {  	v57 =	vmin.f32 v56, $5.500000000e+00;
	v30 =	vld.idx.msk [tilespmem:v7+s19+$0x0], $0xffff;
	v7 =	vadd.f32 $8.389632000e+06, v1;
	v6 =	vand.u32 $0x7FF, v6  }
0x1f3: {  	v31 =	vld.idx.msk [tilespmem:v8+s19+$0x0], $0xffff;
	v22 =	vadd.f32 $8.389632000e+06, v22;
	v5 =	vand.u32 $0x7FF, v5;
	vm4 =	vgt.f32 v35, v50  }
0x1f4: {  	v55 =	vand.u32 $0x7FF, v60;
	v4 =	vld.idx.msk [tilespmem:v4+s6+$0x0], $0xffff;
	v1 =	vand.u32 $0x1F, v50;
	v8 =	vsel vm4, $0x1, v0  }
0x1f5: {  	v54 =	vmul.f32 $1.860909120e+02, v57;
	v7 =	vand.u32 $0x7FF, v7;
	v49 =	vadd.s32 v8, v1;
	v1 =	vld.idx.msk [tilespmem:v3+s19+$0x0], $0xffff  }
0x1f6: {  	v63 =	vpop (erf);
	v52 =	vand.u32 $0x7FF, v2;
	v2 =	vmul.f32 v44, v26;
	vm5 =	vgt.f32 v36, v58;
	v10 =	vld.idx.msk [tilespmem:v10+s6+$0x0], $0xffff  }
0x1f7: {  	v61 =	vadd.f32 $8.389632000e+06, v54;
	v56 =	vand.u32 $0x7FF, v22;
	v59 =	vsel vm5, $0x1, v0;
	v22 =	vpop (erf);
	v6 =	vld.idx.msk [tilespmem:v6+s6+$0x0], $0xffff  }
0x1f8: {  	v8 =	vand.u32 $0x1F, v58;
	v3 =	vadd.f32 $8.389632000e+06, v45;
	v26 =	vmul.f32 v22, v39;
	v5 =	vld.idx.msk [tilespmem:v5+s6+$0x0], $0xffff  }
0x1f9: {  	v45 =	vadd.s32 v59, v8;
	v8 =	vmul.f32 v37, v34;
	v34 =	vadd.f32 v18, v47;
	v18 =	vld.idx.msk [tilespmem:v55+s6+$0x0], $0xffff  }
0x1fa: {  	v9 =	vmul.f32 v63, v9;
	v46 =	vand.u32 $0x7FF, v61;
	v37 =	vmul.f32 v40, v27;
	v7 =	vld.idx.msk [tilespmem:v7+s6+$0x0], $0xffff  }
0x1fb: {  	v3 =	vand.u32 $0x7FF, v3;
	v59 =	vpop (erf);
	v26 =	vadd.f32 v26, v48;
	vm10 =	vgt.f32 v12, v4;
	v53 =	vld.idx.msk [tilespmem:v49+s22+$0x0], $0xffff  }
0x1fc: {  	v4 =	vand.u32 $0x1F, v4;
	v41 =	vmul.f32 v59, v41;
	v50 =	vsel vm10, $0x1, v0;
	v27 =	vld.idx.msk [tilespmem:v49+s18+$0x0], $0xffff  }
0x1fd: {  	v22 =	vand.u32 $0x1F, v10;
	vm6 =	vgt.f32 v20, v10;
	vm7 =	vgt.f32 v21, v6;
	v57 =	vld.idx.msk [tilespmem:v49+s21+$0x0], $0xffff  }
0x1fe: {  	v6 =	vand.u32 $0x1F, v6;
	vm9 =	vgt.f32 v11, v5;
	v5 =	vand.u32 $0x1F, v5;
	v25 =	vld.idx.msk [tilespmem:v45+s18+$0x0], $0xffff  }
0x1ff: {  	v10 =	vpop (erf);
	v28 =	vadd.f32 v41, v28;
	v58 =	vld.idx.msk [tilespmem:v45+s22+$0x0], $0xffff;
	v60 =	vsel vm6, $0x1, v0;
	v61 =	vsel vm7, $0x1, v0  }
0x200: {  	v62 =	vpop (erf);
	v42 =	vmul.f32 v10, v42;
	v10 =	vld.idx.msk [tilespmem:v52+s6+$0x0], $0xffff;
	v47 =	vsel vm9, $0x1, v0;
	vm13 =	vgt.f32 v14, v18  }
0x201: {  	v52 =	vld.idx.msk [tilespmem:v49+s20+$0x0], $0xffff;
	v54 =	vadd.s32 v60, v22;
	v22 =	vadd.s32 v61, v6;
	v6 =	vpop (erf);
	v35 =	vsub.f32 v35, v27  }
0x202: {  	v55 =	vld.idx.msk [tilespmem:v45+s20+$0x0], $0xffff;
	v40 =	vmul.f32 v62, v43;
	v39 =	vmul.f32 v6, v8;
	v6 =	vshll.u32 v53, $0x10  }
0x203: {  	v3 =	vld.idx.msk [tilespmem:v3+s6+$0x0], $0xffff;
	vm8 =	vgt.f32 v24, v7;
	v29 =	vadd.f32 v42, v29;
	v6 =	vmul.f32 v6, v35  }
0x204: {  	v43 =	vld.idx.msk [tilespmem:v46+s6+$0x0], $0xffff;
	v40 =	vadd.f32 v40, v30;
	v36 =	vsub.f32 v36, v25;
	v25 =	vand.u32 $0xFFFF0000, v53  }
0x205: {  	v49 =	vld.idx.msk [tilespmem:v49+s19+$0x0], $0xffff;
	v27 =	vadd.f32 v9, v51;
	v8 =	vshll.u32 v58, $0x10;
	v6 =	vadd.f32 v25, v6  }
0x206: {  	v9 =	vld.idx.msk [tilespmem:v56+s6+$0x0], $0xffff;
	v56 =	vsel vm13, $0x1, v0;
	v44 =	vand.u32 $0xFFFF0000, v58;
	v8 =	vmul.f32 v8, v36  }
0x207: {  	vm11 =	vgt.f32 v13, v10;
	v58 =	vld.idx.msk [tilespmem:v45+s21+$0x0], $0xffff;
	v39 =	vadd.f32 v39, v31;
	v6 =	vmul.f32 v6, v35  }
0x208: {  	v45 =	vld.idx.msk [tilespmem:v45+s19+$0x0], $0xffff;
	vm12 =	vgt.f32 v19, v3;
	v51 =	vsel vm11, $0x1, v0;
	v8 =	vadd.f32 v44, v8  }
0x209: {  	vm15 =	vgt.f32 v15, v43;
	v3 =	vand.u32 $0x1F, v3;
	v44 =	vld.idx.msk [tilespmem:v22+s18+$0x0], $0xffff;
	v6 =	vadd.f32 $1.000000000e+00, v6  }
0x20a: {  	v46 =	vld.idx.msk [tilespmem:v54+s18+$0x0], $0xffff;
	v43 =	vand.u32 $0x1F, v43;
	v53 =	vsel vm12, $0x1, v0;
	v8 =	vmul.f32 v8, v36  }
0x20b: {  	v48 =	vld.idx.msk [tilespmem:v54+s22+$0x0], $0xffff;
	v25 =	vsel vm8, $0x1, v0;
	(erf) = vrcp.f32 v6;
	v6 =	vand.u32 $0x1F, v7  }
0x20c: {  	v60 =	vld.idx.msk [tilespmem:v22+s22+$0x0], $0xffff;
	vm14 =	vgt.f32 v23, v9;
	v8 =	vadd.f32 $1.000000000e+00, v8;
	v25 =	vadd.s32 v25, v6  }
0x20d: {  	v61 =	vld.idx.msk [tilespmem:v54+s20+$0x0], $0xffff;
	v59 =	vsel vm14, $0x1, v0;
	v6 =	vand.u32 $0x1F, v10;
	v10 =	vadd.s32 v47, v5  }
0x20e: {  	v44 =	vsub.f32 v21, v44;
	(erf) = vrcp.f32 v8;
	v47 =	vld.idx.msk [tilespmem:v22+s20+$0x0], $0xffff;
	v8 =	vadd.s32 v50, v4  }
0x20f: {  	v5 =	vmul.f32 v52, v35;
	v4 =	vsel vm15, $0x1, v0;
	v50 =	vld.idx.msk [tilespmem:v54+s21+$0x0], $0xffff;
	v7 =	vadd.s32 v51, v6  }
0x210: {  	v52 =	vpop (erf);
	v6 =	vand.u32 $0x1F, v18;
	v18 =	vmul.f32 v55, v36;
	v55 =	vld.idx.msk [tilespmem:v22+s21+$0x0], $0xffff;
	v4 =	vadd.s32 v4, v43  }
0x211: {  	v63 =	vadd.f32 v57, v5;
	v5 =	vand.u32 $0x1F, v9;
	v9 =	vadd.s32 v53, v3;
	v53 =	vpop (erf);
	v21 =	vld.idx.msk [tilespmem:v25+s18+$0x0], $0xffff  }
0x212: {  	v43 =	vsub.f32 v20, v46;
	v6 =	vadd.s32 v56, v6;
	v18 =	vadd.f32 v58, v18;
	v56 =	vpop (erf);
	v51 =	vld.idx.msk [tilespmem:v10+s18+$0x0], $0xffff  }
0x213: {  	v37 =	vmul.f32 v52, v37;
	v57 =	vshll.u32 v48, $0x10;
	v2 =	vmul.f32 v56, v2;
	v46 =	vld.idx.msk [tilespmem:v8+s18+$0x0], $0xffff  }
0x214: {  	v48 =	vand.u32 $0xFFFF0000, v48;
	v18 =	vmul.f32 v18, v36;
	v36 =	vmul.f32 v57, v43;
	v56 =	vld.idx.msk [tilespmem:v10+s22+$0x0], $0xffff  }
0x215: {  	v5 =	vadd.s32 v59, v5;
	v35 =	vmul.f32 v63, v35;
	v63 =	vmul.f32 v61, v43;
	v61 =	vld.idx.msk [tilespmem:v4+s18+$0x0], $0xffff  }
0x216: {  	v58 =	vshll.u32 v60, $0x10;
	v38 =	vmul.f32 v53, v38;
	v57 =	vld.idx.msk [tilespmem:v8+s22+$0x0], $0xffff;
	v36 =	vadd.f32 v48, v36;
	v20 =	vpop (erf)  }
0x217: {  	v62 =	vand.u32 $0xFFFF0000, v60;
	v30 =	vld.idx.msk [tilespmem:v9+s22+$0x0], $0xffff;
	v20 =	vmul.f32 v20, v35;
	v35 =	vmul.f32 v58, v44  }
0x218: {  	v37 =	vadd.f32 v37, v32;
	v42 =	vld.idx.msk [tilespmem:v8+s20+$0x0], $0xffff;
	v50 =	vadd.f32 v50, v63;
	v59 =	vpop (erf);
	v36 =	vmul.f32 v36, v43  }
0x219: {  	v48 =	vld.idx.msk [tilespmem:v7+s18+$0x0], $0xffff;
	v18 =	vmul.f32 v59, v18;
	v49 =	vadd.f32 v20, v49;
	v35 =	vadd.f32 v62, v35  }
0x21a: {  	v58 =	vld.idx.msk [tilespmem:v9+s18+$0x0], $0xffff;
	v20 =	vmul.f32 v47, v44;
	v36 =	vadd.f32 $1.000000000e+00, v36;
	v15 =	vsub.f32 v15, v61  }
0x21b: {  	v60 =	vld.idx.msk [tilespmem:v5+s18+$0x0], $0xffff;
	v41 =	vshll.u32 v57, $0x10;
	v45 =	vadd.f32 v18, v45;
	v18 =	vsub.f32 v24, v21  }
0x21c: {  	[tilespmem:s4+$0xCB00] =	vst v16;
	v59 =	vld.idx.msk [tilespmem:v6+s18+$0x0], $0xffff;
	v24 =	vsub.f32 v12, v46;
	v16 =	vshll.u32 v30, $0x10;
	v55 =	vadd.f32 v55, v20  }
0x21d: {  	v62 =	vld.idx.msk [tilespmem:v25+s22+$0x0], $0xffff;
	v21 =	vmul.f32 v35, v44;
	v20 =	vsub.f32 v11, v51;
	v11 =	vmul.f32 v50, v43  }
0x21e: {  	v3 =	vld.idx.msk [tilespmem:v54+s19+$0x0], $0xffff;
	(erf) = vrcp.f32 v36;
	v43 =	vadd.f32 v38, v33;
	v33 =	vand.u32 $0xFFFF0000, v56  }
0x21f: {  	s10 =	simm.s32 $0xCAE0;
	v61 =	vld.idx.msk [tilespmem:v4+s22+$0x0], $0xffff;
	v19 =	vsub.f32 v19, v58;
	v41 =	vmul.f32 v41, v24;
	v42 =	vmul.f32 v42, v24  }
0x220: {  	[tilespmem:s10+$0xFFFFFFA0] =	vst v26;
	v26 =	vld.idx.msk [tilespmem:v7+s20+$0x0], $0xffff;
	v63 =	vadd.f32 $1.000000000e+00, v21;
	v21 =	vsub.f32 v13, v48;
	v12 =	vmul.f32 v55, v44  }
0x221: {  	v35 =	vld.idx.msk [tilespmem:v5+s22+$0x0], $0xffff;
	v13 =	vsub.f32 v14, v59;
	v14 =	vsub.f32 v23, v60;
	v60 =	vshll.u32 v56, $0x10  }
0x222: {  	v58 =	vld.idx.msk [tilespmem:v7+s22+$0x0], $0xffff;
	v56 =	vand.u32 $0xFFFF0000, v30;
	v31 =	vand.u32 $0xFFFF0000, v62;
	v59 =	vshll.u32 v62, $0x10  }
0x223: {  	v23 =	vld.idx.msk [tilespmem:v6+s22+$0x0], $0xffff;
	v36 =	vmul.f32 v60, v20;
	v62 =	vand.u32 $0xFFFF0000, v57;
	v30 =	vmul.f32 v16, v19  }
0x224: {  	[tilespmem:s10+$0x10] =	vst v37;
	v44 =	vld.idx.msk [tilespmem:v25+s20+$0x0], $0xffff;
	v60 =	vand.u32 $0xFFFF0000, v61;
	v38 =	vshll.u32 v61, $0x10;
	(erf) = vrcp.f32 v63  }
0x225: {  	v37 =	vld.idx.msk [tilespmem:v22+s19+$0x0], $0xffff;
	v32 =	vmul.f32 v59, v18;
	v61 =	vmul.f32 v38, v15;
	v62 =	vadd.f32 v62, v41  }
0x226: {  	v47 =	vld.idx.msk [tilespmem:v10+s20+$0x0], $0xffff;
	v26 =	vmul.f32 v26, v21;
	v59 =	vand.u32 $0xFFFF0000, v35;
	v33 =	vadd.f32 v33, v36  }
0x227: {  	[tilespmem:s10+$0x50] =	vst v17;
	v46 =	vld.idx.msk [tilespmem:v25+s21+$0x0], $0xffff;
	v54 =	vadd.f32 v56, v30;
	v48 =	vand.u32 $0xFFFF0000, v58;
	v17 =	vshll.u32 v58, $0x10  }
0x228: {  	[tilespmem:s10+$0xFFFFFFB0] =	vst v34;
	v55 =	vld.idx.msk [tilespmem:v10+s21+$0x0], $0xffff;
	v32 =	vadd.f32 v31, v32;
	v63 =	vmul.f32 v17, v21;
	v57 =	vand.u32 $0xFFFF0000, v23  }
0x229: {  	[tilespmem:s10+$0xFFFFFFC0] =	vst v27;
	v38 =	vld.idx.msk [tilespmem:v25+s19+$0x0], $0xffff;
	v16 =	vshll.u32 v23, $0x10;
	v23 =	vshll.u32 v35, $0x10;
	v44 =	vmul.f32 v44, v18  }
0x22a: {  	v31 =	vld.idx.msk [tilespmem:v4+s20+$0x0], $0xffff;
	v30 =	vmul.f32 v33, v20;
	v35 =	vadd.f32 v60, v61;
	v58 =	vmul.f32 v16, v13  }
0x22b: {  	v17 =	vld.idx.msk [tilespmem:v9+s20+$0x0], $0xffff;
	v27 =	vmul.f32 v23, v14;
	v32 =	vmul.f32 v32, v18;
	v63 =	vadd.f32 v48, v63  }
0x22c: {  	v60 =	vmul.f32 v54, v19;
	v16 =	vld.idx.msk [tilespmem:v6+s20+$0x0], $0xffff;
	v34 =	vadd.f32 v57, v58;
	v57 =	vmul.f32 v62, v24  }
0x22d: {  	[tilespmem:s10+$0xFFFFFFD0] =	vst v28;
	v23 =	vld.idx.msk [tilespmem:v5+s20+$0x0], $0xffff;
	v56 =	vadd.f32 v59, v27;
	v32 =	vadd.f32 $1.000000000e+00, v32;
	v58 =	vmul.f32 v63, v21  }
0x22e: {  	[tilespmem:s10+$0xFFFFFFE0] =	vst v29;
	v27 =	vld.idx.msk [tilespmem:v8+s21+$0x0], $0xffff;
	v59 =	vadd.f32 $1.000000000e+00, v30;
	v62 =	vmul.f32 v35, v15;
	v28 =	vadd.f32 $1.000000000e+00, v57  }
0x22f: {  	[tilespmem:s10+$0xFFFFFFF0] =	vst v40;
	v30 =	vld.idx.msk [tilespmem:v7+s21+$0x0], $0xffff;
	v63 =	vmul.f32 v47, v20;
	(erf) = vrcp.f32 v32;
	v29 =	vadd.f32 $1.000000000e+00, v58  }
0x230: {  	[tilespmem:s13+$0xCB00] =	vst v45;
	v45 =	vadd.f32 $1.000000000e+00, v60;
	v35 =	vld.idx.msk [tilespmem:v6+s21+$0x0], $0xffff;
	v61 =	vmul.f32 v34, v13;
	(erf) = vrcp.f32 v59  }
0x231: {  	s12 =	simm.s32 $0xCBA0;
	[tilespmem:s10+$0x0] =	vst v39;
	v25 =	vadd.f32 v46, v44;
	v34 =	vld.idx.msk [tilespmem:v9+s21+$0x0], $0xffff;
	v33 =	vmul.f32 v56, v14;
	(erf) = vrcp.f32 v28  }
0x232: {  	[tilespmem:s12+$0x50] =	vst v49;
	v32 =	vld.idx.msk [tilespmem:v5+s21+$0x0], $0xffff;
	v41 =	vadd.f32 $1.000000000e+00, v62;
	v40 =	vadd.f32 $1.000000000e+00, v61;
	v28 =	vpop (erf);
	(erf) = vrcp.f32 v29  }
0x233: {  	s16 =	simm.s32 $0x4C60;
	s4 =	sadd.s32 $0x1, s9;
	s13 =	simm.s32 $0xC;
	[tilespmem:s10+$0x30] =	vst v43;
	v22 =	vadd.f32 v55, v63;
	v36 =	vadd.f32 $1.000000000e+00, v33;
	v33 =	vld.idx.msk [tilespmem:v4+s21+$0x0], $0xffff;
	v29 =	vpop (erf);
	(erf) = vrcp.f32 v45  }
.LBB2_11:
0x234: {  	v39 =	vld [tilespmem:s16+$0x50];
	v42 =	vadd.f32 v27, v42;
	v17 =	vmul.f32 v17, v19;
	s7 =	sadd.s32 $0xC0, s7;
	(erf) = vrcp.f32 v40  }
0x235: {  	s13 =	sadd.s32 $0xC, s13;
	v16 =	vmul.f32 v16, v13;
	v27 =	vld [tilespmem:s16+$0xFFFFFFB0];
	s11 =	sand.u32 $0x3FC0, s7;
	v43 =	vadd.f32 v30, v26;
	(erf) = vrcp.f32 v36  }
0x236: {  	p0 =	slt.u32 s13, $0x3F0;
	v40 =	vld [tilespmem:s11+$0x4B00];
	v34 =	vadd.f32 v34, v17;
	v17 =	vmul.f32 v23, v14;
	(erf) = vrcp.f32 v41  }
0x237: {  	v44 =	vmul.f32 v25, v18;
	v18 =	vmul.f32 v31, v15;
	v48 =	vadd.f32 v35, v16;
	v30 =	vld [tilespmem:s16+$0xFFFFFFC0]  }
0x238: {  	v26 =	vmul.f32 v22, v20;
	v20 =	vmul.f32 v42, v24;
	v16 =	vld [tilespmem:s16+$0xFFFFFFD0];
	v49 =	vadd.f32 v32, v17;
	v47 =	vpop (erf)  }
0x239: {  	v50 =	vadd.f32 v33, v18;
	v24 =	vmul.f32 v43, v21;
	v17 =	vld [tilespmem:s16+$0xFFFFFFE0];
	v22 =	vmax.f32 v39, $-5.500000000e+00;
	v41 =	vpop (erf)  }
0x23a: {  	v42 =	vmul.f32 v34, v19;
	v18 =	vmax.f32 v27, $-5.500000000e+00;
	v21 =	vld [tilespmem:s16+$0xFFFFFFF0];
	v22 =	vmin.f32 v22, $5.500000000e+00;
	v43 =	vpop (erf)  }
0x23b: {  	v18 =	vmin.f32 v18, $5.500000000e+00;
	v19 =	vld [tilespmem:s16+$0x0];
	v23 =	vmax.f32 v40, $-5.500000000e+00;
	v25 =	vmul.f32 $1.860909120e+02, v22;
	v45 =	vpop (erf)  }
0x23c: {  	v36 =	vmul.f32 $1.860909120e+02, v18;
	v18 =	vmax.f32 v30, $-5.500000000e+00;
	v22 =	vld [tilespmem:s16+$0x10];
	v23 =	vmin.f32 v23, $5.500000000e+00;
	v46 =	vpop (erf)  }
0x23d: {  	v31 =	vmax.f32 v16, $-5.500000000e+00;
	v32 =	vmul.f32 $1.860909120e+02, v23;
	v23 =	vld [tilespmem:s16+$0x30];
	v33 =	vadd.f32 $8.389632000e+06, v25;
	v51 =	vpop (erf)  }
0x23e: {  	v34 =	vmin.f32 v18, $5.500000000e+00;
	v35 =	vmin.f32 v31, $5.500000000e+00;
	v31 =	vmax.f32 v17, $-5.500000000e+00;
	v25 =	vld [tilespmem:s16+$0x40];
	v52 =	vpop (erf)  }
0x23f: {  	v18 =	vld [tilespmem:s16+$0xFFFFFFA0];
	v53 =	vmax.f32 v21, $-5.500000000e+00;
	v32 =	vadd.f32 $8.389632000e+06, v32;
	v54 =	vand.u32 $0x7FF, v33;
	v55 =	vpop (erf)  }
0x240: {  	v56 =	vmin.f32 v31, $5.500000000e+00;
	v53 =	vmin.f32 v53, $5.500000000e+00;
	v33 =	vmax.f32 v19, $-5.500000000e+00;
	v31 =	vld.idx.msk [tilespmem:v10+s19+$0x0], $0xffff  }
0x241: {  	v10 =	vmin.f32 v33, $5.500000000e+00;
	v33 =	vmax.f32 v22, $-5.500000000e+00;
	v57 =	vand.u32 $0x7FF, v32;
	v32 =	vld.idx.msk [tilespmem:v8+s19+$0x0], $0xffff  }
0x242: {  	v8 =	vmul.f32 $1.860909120e+02, v34;
	v58 =	vmin.f32 v33, $5.500000000e+00;
	v34 =	vmax.f32 v23, $-5.500000000e+00;
	v33 =	vld.idx.msk [tilespmem:v7+s19+$0x0], $0xffff  }
0x243: {  	v7 =	vmul.f32 $1.860909120e+02, v35;
	v59 =	vmin.f32 v34, $5.500000000e+00;
	v35 =	vmax.f32 v25, $-5.500000000e+00;
	v34 =	vld.idx.msk [tilespmem:v9+s19+$0x0], $0xffff  }
0x244: {  	v56 =	vmul.f32 $1.860909120e+02, v56;
	v9 =	vmax.f32 v18, $-5.500000000e+00;
	v60 =	vmin.f32 v35, $5.500000000e+00;
	v54 =	vld.idx.msk [tilespmem:v54+s6+$0x0], $0xffff  }
0x245: {  	v53 =	vmul.f32 $1.860909120e+02, v53;
	v10 =	vmul.f32 $1.860909120e+02, v10;
	v9 =	vmin.f32 v9, $5.500000000e+00;
	v35 =	vld.idx.msk [tilespmem:v6+s19+$0x0], $0xffff  }
0x246: {  	v58 =	vmul.f32 $1.860909120e+02, v58;
	v6 =	vmul.f32 $1.860909120e+02, v9;
	v9 =	vadd.f32 $8.389632000e+06, v36;
	v57 =	vld.idx.msk [tilespmem:v57+s6+$0x0], $0xffff  }
0x247: {  	v8 =	vadd.f32 $8.389632000e+06, v8;
	v59 =	vmul.f32 $1.860909120e+02, v59;
	v60 =	vmul.f32 $1.860909120e+02, v60;
	v36 =	vld.idx.msk [tilespmem:v5+s19+$0x0], $0xffff  }
0x248: {  	v7 =	vadd.f32 $8.389632000e+06, v7;
	v5 =	vadd.f32 $8.389632000e+06, v6;
	v6 =	vand.u32 $0x7FF, v9;
	v9 =	vld.idx.msk [tilespmem:v4+s19+$0x0], $0xffff  }
0x249: {  	v56 =	vadd.f32 $8.389632000e+06, v56;
	v53 =	vadd.f32 $8.389632000e+06, v53;
	v8 =	vand.u32 $0x7FF, v8  }
0x24a: {  	v10 =	vadd.f32 $8.389632000e+06, v10;
	v58 =	vadd.f32 $8.389632000e+06, v58;
	vm0 =	vgt.f32 v39, v54  }
0x24b: {  	v59 =	vadd.f32 $8.389632000e+06, v59;
	v4 =	vand.u32 $0x1F, v54;
	v54 =	vsel vm0, $0x1, v0  }
0x24c: {  	v60 =	vadd.f32 $8.389632000e+06, v60;
	vm0 =	vgt.f32 v40, v57;
	v4 =	vadd.s32 v54, v4  }
0x24d: {  	v54 =	vand.u32 $0x7FF, v5;
	v5 =	vand.u32 $0x1F, v57;
	v57 =	vsel vm0, $0x1, v0;
	v6 =	vld.idx.msk [tilespmem:v6+s6+$0x0], $0xffff  }
0x24e: {  	v56 =	vand.u32 $0x7FF, v56;
	v7 =	vand.u32 $0x7FF, v7;
	v5 =	vadd.s32 v57, v5;
	v8 =	vld.idx.msk [tilespmem:v8+s6+$0x0], $0xffff  }
0x24f: {  	v53 =	vand.u32 $0x7FF, v53;
	v10 =	vand.u32 $0x7FF, v10;
	v57 =	vand.u32 $0x7FF, v58  }
0x250: {  	v48 =	vmul.f32 v48, v13;
	v58 =	vand.u32 $0x7FF, v59;
	v59 =	vand.u32 $0x7FF, v60  }
0x251: {  	v2 =	vadd.f32 v2, v1;
	v50 =	vmul.f32 v50, v15;
	v49 =	vmul.f32 v49, v14;
	v60 =	vld.idx.msk [tilespmem:v4+s22+$0x0], $0xffff  }
0x252: {  	v11 =	vmul.f32 v28, v11;
	v15 =	vmul.f32 v47, v44;
	v1 =	vmov v9;
	v61 =	vld.idx.msk [tilespmem:v4+s18+$0x0], $0xffff  }
0x253: {  	v12 =	vmul.f32 v29, v12;
	v9 =	vand.u32 $0x1F, v6;
	vm0 =	vgt.f32 v27, v6;
	v6 =	vld.idx.msk [tilespmem:v5+s18+$0x0], $0xffff;
	[tilespmem:s10+$0x40] =	vst v2;
	s10 =	smov.u32 s12  }
0x254: {  	v2 =	vsel vm0, $0x1, v0;
	v13 =	vand.u32 $0x1F, v8;
	vm0 =	vgt.f32 v30, v8;
	v8 =	vld.idx.msk [tilespmem:v5+s22+$0x0], $0xffff  }
0x255: {  	v41 =	vmul.f32 v41, v26;
	v47 =	vadd.s32 v2, v9;
	v2 =	vsel vm0, $0x1, v0;
	v44 =	vld.idx.msk [tilespmem:v54+s6+$0x0], $0xffff  }
0x256: {  	v14 =	vmul.f32 v45, v24;
	v26 =	vadd.s32 v2, v13;
	v13 =	vmul.f32 v43, v20;
	v7 =	vld.idx.msk [tilespmem:v7+s6+$0x0], $0xffff  }
0x257: {  	v29 =	vmul.f32 v51, v48;
	v20 =	vadd.f32 v15, v38;
	v15 =	vmul.f32 v46, v42;
	v9 =	vld.idx.msk [tilespmem:v56+s6+$0x0], $0xffff  }
0x258: {  	v28 =	vmul.f32 v52, v49;
	v2 =	vmul.f32 v55, v50;
	v38 =	vsub.f32 v39, v61;
	v24 =	vld.idx.msk [tilespmem:v53+s6+$0x0], $0xffff  }
0x259: {  	v3 =	vadd.f32 v11, v3;
	v39 =	vsub.f32 v40, v6;
	v6 =	vshll.u32 v60, $0x10;
	v10 =	vld.idx.msk [tilespmem:v10+s6+$0x0], $0xffff;
	[tilespmem:s12+$0xFFFFFFA0] =	vst v20  }
0x25a: {  	v12 =	vadd.f32 v12, v37;
	v20 =	vshll.u32 v8, $0x10;
	v6 =	vmul.f32 v6, v38;
	v11 =	vld.idx.msk [tilespmem:v57+s6+$0x0], $0xffff  }
0x25b: {  	v40 =	vand.u32 $0xFFFF0000, v60;
	vm0 =	vgt.f32 v18, v44;
	v20 =	vmul.f32 v20, v39;
	v37 =	vld.idx.msk [tilespmem:v58+s6+$0x0], $0xffff;
	[tilespmem:s12+$0xFFFFFFB0] =	vst v3  }
0x25c: {  	vm1 =	vgt.f32 v16, v7;
	v3 =	vand.u32 $0xFFFF0000, v8;
	v6 =	vadd.f32 v40, v6;
	v8 =	vld.idx.msk [tilespmem:v59+s6+$0x0], $0xffff;
	[tilespmem:s12+$0xFFFFFFC0] =	vst v12  }
0x25d: {  	v12 =	vsel vm0, $0x1, v0;
	vm0 =	vgt.f32 v17, v9;
	v3 =	vadd.f32 v3, v20;
	v40 =	vld.idx.msk [tilespmem:v47+s18+$0x0], $0xffff  }
0x25e: {  	v42 =	vsel vm1, $0x1, v0;
	vm1 =	vgt.f32 v21, v24;
	v6 =	vmul.f32 v6, v38;
	v20 =	vld.idx.msk [tilespmem:v26+s18+$0x0], $0xffff  }
0x25f: {  	v45 =	vsel vm0, $0x1, v0;
	vm0 =	vgt.f32 v19, v10;
	v3 =	vmul.f32 v3, v39;
	v43 =	vld.idx.msk [tilespmem:v47+s22+$0x0], $0xffff  }
0x260: {  	v46 =	vsel vm1, $0x1, v0;
	vm1 =	vgt.f32 v22, v11;
	v6 =	vadd.f32 $1.000000000e+00, v6;
	v48 =	vld.idx.msk [tilespmem:v4+s20+$0x0], $0xffff  }
0x261: {  	v49 =	vsel vm0, $0x1, v0;
	v3 =	vadd.f32 $1.000000000e+00, v3;
	vm0 =	vgt.f32 v23, v37;
	v50 =	vld.idx.msk [tilespmem:v5+s20+$0x0], $0xffff  }
0x262: {  	v51 =	vsel vm1, $0x1, v0;
	vm1 =	vgt.f32 v25, v8;
	v52 =	vld.idx.msk [tilespmem:v4+s21+$0x0], $0xffff;
	(erf) = vrcp.f32 v6  }
0x263: {  	v54 =	vsel vm0, $0x1, v0;
	v55 =	vsel vm1, $0x1, v0;
	v53 =	vld.idx.msk [tilespmem:v5+s21+$0x0], $0xffff;
	(erf) = vrcp.f32 v3  }
0x264: {  	v6 =	vand.u32 $0x1F, v7;
	v7 =	vand.u32 $0x1F, v9;
	v3 =	vand.u32 $0x1F, v44;
	v44 =	vld.idx.msk [tilespmem:v26+s22+$0x0], $0xffff  }
0x265: {  	v11 =	vand.u32 $0x1F, v11;
	v9 =	vand.u32 $0x1F, v24;
	v24 =	vand.u32 $0x1F, v10;
	v56 =	vld.idx.msk [tilespmem:v47+s20+$0x0], $0xffff  }
0x266: {  	v58 =	vand.u32 $0x1F, v37;
	v59 =	vand.u32 $0x1F, v8;
	v48 =	vmul.f32 v48, v38;
	v57 =	vld.idx.msk [tilespmem:v26+s20+$0x0], $0xffff  }
0x267: {  	v10 =	vadd.s32 v42, v6;
	v37 =	vadd.s32 v12, v3;
	v3 =	vmul.f32 v50, v39;
	v12 =	vld.idx.msk [tilespmem:v47+s21+$0x0], $0xffff  }
0x268: {  	v8 =	vadd.s32 v45, v7;
	v7 =	vadd.s32 v46, v9;
	v45 =	vadd.f32 v52, v48;
	v42 =	vld.idx.msk [tilespmem:v4+s19+$0x0], $0xffff  }
0x269: {  	v9 =	vadd.s32 v49, v24;
	v6 =	vadd.s32 v51, v11;
	v48 =	vadd.f32 v53, v3;
	v11 =	vld.idx.msk [tilespmem:v5+s19+$0x0], $0xffff  }
0x26a: {  	v4 =	vadd.s32 v55, v59;
	v5 =	vadd.s32 v54, v58;
	v49 =	vmul.f32 v45, v38;
	v46 =	vld.idx.msk [tilespmem:v26+s21+$0x0], $0xffff  }
0x26b: {  	v27 =	vsub.f32 v27, v40;
	v30 =	vsub.f32 v30, v20;
	v20 =	vmul.f32 v48, v39;
	v3 =	vld.idx.msk [tilespmem:v47+s19+$0x0], $0xffff;
	v24 =	vpop (erf)  }
0x26c: {  	v40 =	vshll.u32 v43, $0x10;
	v45 =	vshll.u32 v44, $0x10;
	v39 =	vld.idx.msk [tilespmem:v37+s18+$0x0], $0xffff;
	v24 =	vmul.f32 v24, v49;
	v38 =	vpop (erf)  }
0x26d: {  	v43 =	vand.u32 $0xFFFF0000, v43;
	v40 =	vmul.f32 v40, v27;
	v47 =	vld.idx.msk [tilespmem:v10+s18+$0x0], $0xffff;
	v20 =	vmul.f32 v38, v20  }
0x26e: {  	v38 =	vand.u32 $0xFFFF0000, v44;
	v44 =	vmul.f32 v45, v30;
	v45 =	vld.idx.msk [tilespmem:v8+s18+$0x0], $0xffff;
	v24 =	vadd.f32 v24, v42  }
0x26f: {  	s12 =	sadd.s32 $0xC0, s12;
	v40 =	vadd.f32 v43, v40;
	v42 =	vmul.f32 v56, v27;
	v43 =	vld.idx.msk [tilespmem:v7+s18+$0x0], $0xffff;
	v11 =	vadd.f32 v20, v11  }
0x270: {  	v20 =	vmul.f32 v57, v30;
	v38 =	vadd.f32 v38, v44;
	v44 =	vld.idx.msk [tilespmem:v9+s18+$0x0], $0xffff;
	[tilespmem:s12+$0x50] =	vst v24  }
0x271: {  	v12 =	vadd.f32 v12, v42;
	v24 =	vmul.f32 v40, v27;
	v40 =	vld.idx.msk [tilespmem:v6+s18+$0x0], $0xffff;
	[tilespmem:s11+$0xCB00] =	vst v11  }
0x272: {  	v18 =	vsub.f32 v18, v39;
	v39 =	vadd.f32 v46, v20;
	v38 =	vmul.f32 v38, v30;
	v42 =	vld.idx.msk [tilespmem:v5+s18+$0x0], $0xffff  }
0x273: {  	v11 =	vmul.f32 v12, v27;
	v27 =	vadd.f32 $1.000000000e+00, v24;
	v20 =	vsub.f32 v16, v47;
	v16 =	vld.idx.msk [tilespmem:v4+s18+$0x0], $0xffff  }
0x274: {  	v12 =	vmul.f32 v39, v30;
	v30 =	vadd.f32 $1.000000000e+00, v38;
	v24 =	vsub.f32 v17, v45;
	v46 =	vld.idx.msk [tilespmem:v37+s22+$0x0], $0xffff  }
0x275: {  	v21 =	vsub.f32 v21, v43;
	v17 =	vld.idx.msk [tilespmem:v10+s22+$0x0], $0xffff;
	(erf) = vrcp.f32 v27;
	v27 =	vadd.f32 v41, v31  }
0x276: {  	v19 =	vsub.f32 v19, v44;
	v31 =	vld.idx.msk [tilespmem:v8+s22+$0x0], $0xffff;
	(erf) = vrcp.f32 v30;
	v30 =	vadd.f32 v13, v32  }
0x277: {  	v13 =	vsub.f32 v22, v40;
	v22 =	vadd.f32 v14, v33;
	v32 =	vld.idx.msk [tilespmem:v7+s22+$0x0], $0xffff;
	[tilespmem:s10+$0xFFFFFFD0] =	vst v27  }
0x278: {  	v14 =	vsub.f32 v23, v42;
	v23 =	vadd.f32 v15, v34;
	v27 =	vld.idx.msk [tilespmem:v9+s22+$0x0], $0xffff;
	[tilespmem:s10+$0xFFFFFFE0] =	vst v30  }
0x279: {  	v15 =	vsub.f32 v25, v16;
	v16 =	vadd.f32 v29, v35;
	v30 =	vld.idx.msk [tilespmem:v6+s22+$0x0], $0xffff;
	[tilespmem:s10+$0xFFFFFFF0] =	vst v22  }
0x27a: {  	v22 =	vand.u32 $0xFFFF0000, v46;
	v25 =	vshll.u32 v46, $0x10;
	v33 =	vld.idx.msk [tilespmem:v5+s22+$0x0], $0xffff;
	[tilespmem:s10+$0x0] =	vst v23;
	v23 =	vadd.f32 v28, v36  }
0x27b: {  	v25 =	vmul.f32 v25, v18;
	v34 =	vand.u32 $0xFFFF0000, v17;
	v17 =	vshll.u32 v17, $0x10;
	v35 =	vld.idx.msk [tilespmem:v4+s22+$0x0], $0xffff;
	[tilespmem:s10+$0x10] =	vst v16  }
0x27c: {  	v38 =	vmul.f32 v17, v20;
	v39 =	vand.u32 $0xFFFF0000, v31;
	v16 =	vshll.u32 v31, $0x10;
	v36 =	vld.idx.msk [tilespmem:v37+s20+$0x0], $0xffff;
	[tilespmem:s10+$0x30] =	vst v23  }
0x27d: {  	v31 =	vmul.f32 v16, v24;
	v40 =	vand.u32 $0xFFFF0000, v32;
	v16 =	vshll.u32 v32, $0x10;
	v41 =	vld.idx.msk [tilespmem:v10+s20+$0x0], $0xffff  }
0x27e: {  	v32 =	vmul.f32 v16, v21;
	v43 =	vand.u32 $0xFFFF0000, v27;
	v16 =	vshll.u32 v27, $0x10;
	v42 =	vld.idx.msk [tilespmem:v8+s20+$0x0], $0xffff;
	v28 =	vpop (erf)  }
0x27f: {  	v27 =	vmul.f32 v16, v19;
	v45 =	vand.u32 $0xFFFF0000, v30;
	v16 =	vshll.u32 v30, $0x10;
	v44 =	vld.idx.msk [tilespmem:v7+s20+$0x0], $0xffff;
	v29 =	vpop (erf)  }
0x280: {  	v30 =	vmul.f32 v16, v13;
	v46 =	vand.u32 $0xFFFF0000, v33;
	v23 =	vshll.u32 v33, $0x10;
	v17 =	vld.idx.msk [tilespmem:v9+s20+$0x0], $0xffff  }
0x281: {  	v33 =	vmul.f32 v23, v14;
	v47 =	vand.u32 $0xFFFF0000, v35;
	v35 =	vshll.u32 v35, $0x10;
	v16 =	vld.idx.msk [tilespmem:v6+s20+$0x0], $0xffff  }
0x282: {  	v22 =	vadd.f32 v22, v25;
	v25 =	vadd.f32 v34, v38;
	v34 =	vmul.f32 v35, v15;
	v23 =	vld.idx.msk [tilespmem:v5+s20+$0x0], $0xffff  }
0x283: {  	v32 =	vadd.f32 v40, v32;
	v48 =	vmul.f32 v36, v18;
	v35 =	vadd.f32 v39, v31;
	v31 =	vld.idx.msk [tilespmem:v4+s20+$0x0], $0xffff  }
0x284: {  	v22 =	vmul.f32 v22, v18;
	v36 =	vadd.f32 v43, v27;
	v38 =	vadd.f32 v45, v30;
	v39 =	vld.idx.msk [tilespmem:v37+s21+$0x0], $0xffff  }
0x285: {  	v25 =	vmul.f32 v25, v20;
	v33 =	vadd.f32 v46, v33;
	v40 =	vadd.f32 v47, v34;
	v43 =	vld.idx.msk [tilespmem:v10+s21+$0x0], $0xffff  }
0x286: {  	v22 =	vadd.f32 $1.000000000e+00, v22;
	v32 =	vmul.f32 v32, v21;
	v34 =	vmul.f32 v35, v24;
	v27 =	vld.idx.msk [tilespmem:v8+s21+$0x0], $0xffff  }
0x287: {  	v25 =	vadd.f32 $1.000000000e+00, v25;
	v35 =	vmul.f32 v36, v19;
	v36 =	vmul.f32 v38, v13;
	v30 =	vld.idx.msk [tilespmem:v7+s21+$0x0], $0xffff  }
0x288: {  	v33 =	vmul.f32 v33, v14;
	v38 =	vadd.f32 $1.000000000e+00, v34;
	v45 =	vmul.f32 v40, v15;
	v34 =	vld.idx.msk [tilespmem:v9+s21+$0x0], $0xffff  }
.Ltmp5:
0x289: {  	v46 =	vadd.f32 $1.000000000e+00, v32;
	v47 =	vadd.f32 $1.000000000e+00, v35;
	v35 =	vld.idx.msk [tilespmem:v6+s21+$0x0], $0xffff;
	(erf) = vrcp.f32 v22;
	(pc) =	sbr.rel @p0 .LBB2_11-.Ltmp5, $4  }
0x28a: {  	v40 =	vadd.f32 $1.000000000e+00, v36;
	v36 =	vadd.f32 $1.000000000e+00, v33;
	v32 =	vld.idx.msk [tilespmem:v5+s21+$0x0], $0xffff;
	(erf) = vrcp.f32 v25  }
0x28b: {  	v22 =	vmul.f32 v41, v20;
	v41 =	vadd.f32 $1.000000000e+00, v45;
	v33 =	vld.idx.msk [tilespmem:v4+s21+$0x0], $0xffff;
	(erf) = vrcp.f32 v38  }
0x28c: {  	v42 =	vmul.f32 v42, v24;
	v25 =	vadd.f32 v39, v48;
	v38 =	vld.idx.msk [tilespmem:v37+s19+$0x0], $0xffff;
	(erf) = vrcp.f32 v46  }
0x28d: {  	s16 =	sadd.s32 $0xC0, s16;
	v22 =	vadd.f32 v43, v22;
	v37 =	vld.idx.msk [tilespmem:v26+s19+$0x0], $0xffff;
	v26 =	vmul.f32 v44, v21;
	(erf) = vrcp.f32 v47  }
0x28e: {  	_ =	sdelay $0x2  }
0x28f: {  	v17 =	vmul.f32 v17, v19;
	(erf) = vrcp.f32 v40  }
0x290: {  	v16 =	vmul.f32 v16, v13;
	v23 =	vmul.f32 v23, v14;
	v10 =	vld.idx.msk [tilespmem:v10+s19+$0x0], $0xffff  }
0x291: {  	v18 =	vmul.f32 v25, v18;
	v49 =	vmul.f32 v31, v15;
	v8 =	vld.idx.msk [tilespmem:v8+s19+$0x0], $0xffff  }
0x292: {  	v7 =	vld.idx.msk [tilespmem:v7+s19+$0x0], $0xffff;
	v1 =	vadd.f32 v2, v1;
	v2 =	vmul.f32 v28, v11;
	(erf) = vrcp.f32 v36  }
0x293: {  	v27 =	vadd.f32 v27, v42;
	v9 =	vld.idx.msk [tilespmem:v9+s19+$0x0], $0xffff;
	v12 =	vmul.f32 v29, v12;
	(erf) = vrcp.f32 v41  }
0x294: {  	v6 =	vld.idx.msk [tilespmem:v6+s19+$0x0], $0xffff;
	v26 =	vadd.f32 v30, v26;
	v20 =	vmul.f32 v22, v20;
	v17 =	vadd.f32 v34, v17;
	v51 =	vpop (erf)  }
0x295: {  	v5 =	vld.idx.msk [tilespmem:v5+s19+$0x0], $0xffff;
	v16 =	vadd.f32 v35, v16;
	v50 =	vmul.f32 v27, v24;
	v23 =	vadd.f32 v32, v23;
	v53 =	vpop (erf)  }
0x296: {  	v4 =	vld.idx.msk [tilespmem:v4+s19+$0x0], $0xffff;
	v2 =	vadd.f32 v2, v3;
	v21 =	vmul.f32 v26, v21;
	v18 =	vmul.f32 v51, v18;
	v54 =	vpop (erf)  }
0x297: {  	[tilespmem:s10+$0x40] =	vst v1;
	v17 =	vmul.f32 v17, v19;
	v12 =	vadd.f32 v12, v37;
	v1 =	vmul.f32 v53, v20;
	v3 =	vpop (erf)  }
0x298: {  	[tilespmem:s12+$0xFFFFFFB0] =	vst v2;
	v18 =	vadd.f32 v18, v38;
	v55 =	vmul.f32 v54, v50;
	v3 =	vmul.f32 v3, v21  }
0x299: {  	v52 =	vadd.f32 v33, v49;
	v57 =	vmul.f32 v16, v13;
	[tilespmem:s12+$0xFFFFFFC0] =	vst v12;
	v56 =	vpop (erf);
	v1 =	vadd.f32 v1, v10  }
0x29a: {  	v58 =	vmul.f32 v23, v14;
	[tilespmem:s12+$0xFFFFFFA0] =	vst v18;
	v2 =	vpop (erf);
	v59 =	vmul.f32 v56, v17;
	v8 =	vadd.f32 v55, v8  }
0x29b: {  	v61 =	vmul.f32 v52, v15;
	v60 =	vpop (erf);
	v2 =	vmul.f32 v2, v57;
	[tilespmem:s12+$0xFFFFFFD0] =	vst v1;
	v1 =	vadd.f32 v3, v7  }
0x29c: {  	v62 =	vmul.f32 v60, v58;
	[tilespmem:s12+$0xFFFFFFE0] =	vst v8;
	v63 =	vadd.f32 v59, v9;
	v3 =	vpop (erf)  }
0x29d: {  	[tilespmem:s12+$0xFFFFFFF0] =	vst v1;
	v1 =	vadd.f32 v2, v6;
	v3 =	vmul.f32 v3, v61  }
0x29e: {  	[tilespmem:s12+$0x0] =	vst v63;
	v2 =	vadd.f32 v62, v5  }
0x29f: {  	[tilespmem:s12+$0x10] =	vst v1;
	v1 =	vadd.f32 v3, v4  }
0x2a0: {  	[tilespmem:s12+$0x30] =	vst v2  }
0x2a1: {  	[tilespmem:s12+$0x40] =	vst v1  }
.LBB2_13:
0x2a2: {  	s7 =	sshra.s32 s6, $0x2  }
0x2a3: {  	v1 =	vld [tilespmem:s7+$0x8A40];
	_ =	sdelay $0x4  }
0x2a4: {  	v2 =	vmax.f32 v1, $-5.500000000e+00  }
0x2a5: {  	v2 =	vmin.f32 v2, $5.500000000e+00  }
0x2a6: {  	v2 =	vmul.f32 $1.860909120e+02, v2;
	_ =	sdelay $0x1  }
0x2a7: {  	v2 =	vadd.f32 $8.389632000e+06, v2;
	_ =	sdelay $0x1  }
0x2a8: {  	v2 =	vand.u32 $0x7FF, v2;
	_ =	sdelay $0x4  }
0x2a9: {  	v2 =	vld.idx.msk [tilespmem:v2+s5+$0x0], $0xffff;
	_ =	sdelay $0x4  }
0x2aa: {  	vm0 =	vgt.f32 v1, v2  }
0x2ab: {  	v2 =	vand.u32 $0x1F, v2;
	v3 =	vsel vm0, $0x1, v0  }
0x2ac: {  	v2 =	vadd.s32 v3, v2;
	_ =	sdelay $0x4  }
0x2ad: {  	v3 =	vld.idx.msk [tilespmem:v2+s18+$0x0], $0xffff  }
0x2ae: {  	v4 =	vld.idx.msk [tilespmem:v2+s22+$0x0], $0xffff;
	_ =	sdelay $0x3  }
0x2af: {  	v1 =	vsub.f32 v1, v3  }
0x2b0: {  	v3 =	vshll.u32 v4, $0x10  }
0x2b1: {  	v3 =	vmul.f32 v3, v1  }
0x2b2: {  	v4 =	vand.u32 $0xFFFF0000, v4  }
0x2b3: {  	v3 =	vadd.f32 v4, v3;
	_ =	sdelay $0x1  }
0x2b4: {  	v3 =	vmul.f32 v3, v1;
	_ =	sdelay $0x1  }
0x2b5: {  	v63 =	vld.idx.msk [tilespmem:v2+s20+$0x0], $0xffff;
	v3 =	vadd.f32 $1.000000000e+00, v3;
	_ =	sdelay $0x1  }
0x2b6: {  	(erf) = vrcp.f32 v3;
	v3 =	vld.idx.msk [tilespmem:v2+s21+$0x0], $0xffff;
	_ =	sdelay $0x2  }
0x2b7: {  	v4 =	vmul.f32 v63, v1;
	_ =	sdelay $0x1  }
0x2b8: {  	v3 =	vadd.f32 v3, v4;
	_ =	sdelay $0x1  }
0x2b9: {  	v2 =	vld.idx.msk [tilespmem:v2+s19+$0x0], $0xffff  }
0x2ba: {  	v1 =	vmul.f32 v3, v1  }
0x2bb: {  	p0 =	sne.s32 s6, $0xC0;
	v3 =	vpop (erf)  }
.Ltmp6:
0x2bc: {  	v1 =	vmul.f32 v3, v1;
	(pc) =	sbr.rel @p0 .LBB2_13-.Ltmp6, $3  }
0x2bd: {  	_ = 	snop  }
0x2be: {  	v1 =	vadd.f32 v1, v2;
	_ =	sdelay $0x1  }
0x2bf: {  	s6 =	sadd.s32 $0x40, s6;
	[tilespmem:s7+$0x10A40] =	vst v1  }
0x2c0: {  	s2 =	sadd.s32 s2, s3  }
0x2c1: {  	p0 =	seq.s32 s9, $0xF;
	s2 =	sadd.s32 $0x800, s2  }
0x2c2: {  	[hbm4b:s2+s5] =	stream.linear.scatter [tilespmem:s30], [sflag:$0x4], $0x4000, $0x38;
	[tilespmem:$0x10A80] =	vst v63  }
0x2c3: {  	s2 =	sadd.s32 @!p0 s24, s15  }
0x2c4: {  	s6 =	simm.s32 @!p0 $0x0;
	s2 =	sshrl.u32 @!p0 s2, $0x3  }
0x2c5: {  	s7 =	simm.s32 @!p0 $0x4A80;
	p1 =	sne.s32 @!p0 s4, $0x10;
	s2 =	sadd.s32 @!p0 s1, s2  }
0x2c6: {  	[tilespmem:s7], [sflag:$0x2] =	stream.linear.gather @!p0 [hbm4b:s2+s6], $0x4000, $0x38;
	[tilespmem:$0x10A80] =	vst v63  }
0x2c7: {  	p0 =	por p0, !p1  }
.Ltmp7:
0x2c8: {  	_ = 	snop;
	(pc) =	sbr.rel @!p0 .LBB2_2-.Ltmp7, $2  }
0x2c9: {  	_ =	sdelay $0x2  }
0x2ca: {  	s9 =	smov.u32 s4  }
0x2cb: {  	_ =	swait.ge [sflag:s31], $0x4000  }
0x2cc: {  	[sflag:s31] =	ssyncset.done $0x0  }
0x2cd: {  	[sflag:s31] =	ssyncadd.s32 $0xFFFFC000  }
0x2ce: {  	_ =	swait.ge [sflag:s29], $0x4000  }
0x2cf: {  	s0 =	sadd.s32 $0x1, s0;
	s2 =	rddreg [dreg:$0xb]  }
0x2d0: {  	p0 =	sne.s32 s0, s2  }
.Ltmp8:
0x2d1: {  	_ = 	snop;
	(pc) =	sbr.rel @p0 .LBB2_1-.Ltmp8, $3  }
0x2d2: {  	_ =	sdelay $0x1  }
0x2d3: {  	[sflag:s29] =	ssyncset.done $0x0  }
0x2d4: {  	[sflag:s29] =	ssyncadd.s32 $0xFFFFC000  }
0x2d5: {  	_ =	sfence.sel $0x180000  }
0x2d6: {  	[bflag:$0x0] =	sbarrier.arrive $0xFFFF  }
0x2d7: {  	_ =	strace $0x90000047  }
0x2d8: {  	s0 =	stileid.u32;
	[bflag:$0x2] =	sbarrier.arrive $0xFFFF  }
0x2d9: {  	p0 =	sne.s32 s0, $0x0;
	s0 =	rddreg [dreg:$0x3]  }
0x2da: {  	s0 =	sadd.s32 @!p0 $0x100000, s0  }
0x2db: {  	[sflag:s0] =	ssyncadd.tile.s32 @!p0 $0x1;
	_ =	shalt  }
.Lfunc_end2:
_tile_overlayer_lowered:
.L_overlay_start_2:
0x2dc: {  	(tag) =	ssettag $0x2  }
0x2dd: {  	s0 =	rddreg [dreg:$0x0];
	s2 =	stileid.u32  }
0x2de: {  	s1 =	rddreg [dreg:$0x1];
	p0 =	sne.s32 s2, $0x0  }
0x2df: {  	s3 =	rddreg [dreg:$0x2];
	[bflag:$0x3] =	sbarrier.arrive $0xFFFF;
	s2 =	simm.s32 @!p0 $0x1C05  }
0x2e0: {  	[timem:s3], [sflag:s2] =	dma.local @!p0 [hbm:s0], s1  }
0x2e1: {  	s0 =	simm.s32 @!p0 $0x5  }
0x2e2: {  	_ =	swait.ge @!p0 [sflag:s0], s1  }
0x2e3: {  	s1 =	ssub.s32 @!p0 $0x0, s1;
	[sflag:s0] =	ssyncset.done @!p0 $0x0  }
0x2e4: {  	[sflag:s0] =	ssyncadd.s32 @!p0 s1  }
0x2e5: {  	[bflag:$0x3] =	sbarrier.arrive $0xFFFF  }
0x2e6: {  	_ =	shalt  }

</sc_bundles>
